<compile_context>
chip_gen: v7x
topology: tpu7x:2x2x1
jax: 0.10.2.dev20260603
libtpu: 0.0.44.dev20260713+nightly
codegen_flags: <defaults>
</compile_context>

<pallas_src>
import functools

import jax
import jax.numpy as jnp
from jax import lax
from jax.experimental import pallas as pl
from jax.experimental.pallas import tpu as pltpu
from jax.experimental.pallas import tpu_sc as plsc

_CH = 128
_NB = 6
_LA = 4
_NC = 2
_NS = 16


@jax.jit
def _emb_lookup(idx2d, table):
    nchunks, ch = idx2d.shape
    _, d = table.shape
    nw = _NC * _NS
    per_w = nchunks // nw

    mesh = plsc.VectorSubcoreMesh(core_axis_name="c", subcore_axis_name="s")

    @functools.partial(
        pl.kernel,
        mesh=mesh,
        out_type=jax.ShapeDtypeStruct((nchunks * ch, d), jnp.float32),
        scratch_types=[
            pltpu.VMEM((per_w, ch), jnp.int32),
            pltpu.VMEM((_NB, ch, d), jnp.float32),
            [pltpu.SemaphoreType.DMA] * _NB,
            [pltpu.SemaphoreType.DMA] * _NB,
        ],
    )
    def k(idx_hbm, tab_hbm, out_hbm, idx_v, rows_v, gsems, wsems):
        wid = lax.axis_index("s") * _NC + lax.axis_index("c")
        base = wid * per_w
        pltpu.sync_copy(idx_hbm.at[pl.ds(base, per_w), :], idx_v)

        def gather(c, b):
            pltpu.async_copy(tab_hbm.at[idx_v.at[c]], rows_v.at[b], gsems[b])

        def gather_wait(c, b):
            pltpu.make_async_copy(
                tab_hbm.at[idx_v.at[c]], rows_v.at[b], gsems[b]
            ).wait()

        def wb(c, b):
            pltpu.async_copy(
                rows_v.at[b], out_hbm.at[pl.ds((base + c) * ch, ch), :], wsems[b]
            )

        def wb_wait(c, b):
            pltpu.make_async_copy(
                rows_v.at[b], out_hbm.at[pl.ds((base + c) * ch, ch), :], wsems[b]
            ).wait()

        def step(c, b):
            bn = (b + _LA) % _NB
            @pl.when(c + _LA < per_w)
            def _():
                @pl.when(c + _LA >= _NB)
                def _():
                    wb_wait(c + _LA - _NB, bn)

                gather(c + _LA, bn)

            gather_wait(c, b)
            wb(c, b)

        for t in range(_LA):
            gather(t, t)

        def body(i, _):
            for t in range(_NB):
                step(i * _NB + t, t)
            return 0

        niter = per_w // _NB
        lax.fori_loop(0, niter, body, 0)
        for t in range(per_w - niter * _NB):
            step(niter * _NB + t, t)
        for t in range(_NB):
            c = per_w - _NB + t
            wb_wait(c, c % _NB)

    return k(idx2d, table)


def kernel(input_ids, table):
    b, h = input_ids.shape
    d = table.shape[1]
    idx2d = input_ids.reshape(-1, _CH).astype(jnp.int32)
    out = _emb_lookup(idx2d, table)
    return out.reshape(b, h, d)

# --- scband reference (transcript-rebuilt; emitter-appended) ---
"""Pipeline reference for scband-code-emb-51934744543859 (READ-ONLY COPY).

The authoritative reference and input builder live on the scoring server;
editing this copy changes nothing except your own understanding.
"""

import jax, jax.numpy as jnp
import numpy as np

VOCAB = 100000
EMBED_DIM = 128
BATCH = 4096
HIST = 200
PADDING_IDX = 0


def setup_inputs(seed: int = 0) -> dict:
    key = jax.random.key(seed)
    k_idx, k_tab = jax.random.split(key)
    input_ids = jax.random.randint(k_idx, (BATCH, HIST), 0, VOCAB, dtype=jnp.int64)
    table = jax.random.normal(k_tab, (VOCAB, EMBED_DIM), dtype=jnp.float32)
    # padding_idx=0: that row is zero in nn.Embedding
    table = table.at[PADDING_IDX].set(0.0)
    return {"input_ids": input_ids, "table": table}


def reference(input_ids, table):
    # CodeEmb.forward: output = self.embedding(input_ids)
    out = jnp.take(table, input_ids, axis=0)
    # enforce padding_idx semantics (row 0 is zeros)
    mask = (input_ids != PADDING_IDX)[..., None].astype(out.dtype)
    return out * mask

if __name__ == "__main__":
    import jax
    _d = setup_inputs()
    print(jax.jit(kernel)(*tuple(_d.values())))

</pallas_src>

<mosaic_0001>
#map = affine_map<(d0, d1) -> (0, 0)>
module attributes {stable_mosaic.version = 14 : i64} {
  func.func @k(%arg0: i32, %arg1: i32, %arg2: memref<6400x128xi32, #tpu.memory_space<hbm>>, %arg3: memref<100000x128xf32, #tpu.memory_space<hbm>>, %arg4: memref<819200x128xf32, #tpu.memory_space<hbm>>, %arg5: memref<200x128xi32, #tpu.memory_space<vmem>>, %arg6: memref<6x128x128xf32, #tpu.memory_space<vmem>>, %arg7: memref<!tpu.dma_semaphore, #tpu.memory_space<semaphore_mem>>, %arg8: memref<!tpu.dma_semaphore, #tpu.memory_space<semaphore_mem>>, %arg9: memref<!tpu.dma_semaphore, #tpu.memory_space<semaphore_mem>>, %arg10: memref<!tpu.dma_semaphore, #tpu.memory_space<semaphore_mem>>, %arg11: memref<!tpu.dma_semaphore, #tpu.memory_space<semaphore_mem>>, %arg12: memref<!tpu.dma_semaphore, #tpu.memory_space<semaphore_mem>>, %arg13: memref<!tpu.dma_semaphore, #tpu.memory_space<semaphore_mem>>, %arg14: memref<!tpu.dma_semaphore, #tpu.memory_space<semaphore_mem>>, %arg15: memref<!tpu.dma_semaphore, #tpu.memory_space<semaphore_mem>>, %arg16: memref<!tpu.dma_semaphore, #tpu.memory_space<semaphore_mem>>, %arg17: memref<!tpu.dma_semaphore, #tpu.memory_space<semaphore_mem>>, %arg18: memref<!tpu.dma_semaphore, #tpu.memory_space<semaphore_mem>>) attributes {dimension_semantics = [#tpu.dimension_semantics<core_parallel>, #tpu.dimension_semantics<subcore_parallel>], iteration_bounds = array<i64: 2, 16>, scalar_prefetch = 0 : i64, scratch_operands = 14 : i64, tpu.core_type = #tpu.core_type<sc_vector_subcore>, window_params = [{transform_indices = #map}, {transform_indices = #map}, {transform_indices = #map}]} {
    %mul3A = arith.constant 2 : i32
    %mul3A_0 = arith.muli %arg1, %mul3A : i32
    %add3A = arith.addi %mul3A_0, %arg0 : i32
    %mul3A_1 = arith.constant 200 : i32
    %mul3A_2 = arith.muli %add3A, %mul3A_1 : i32
    "tpu.region"() ({
      %run_scoped3A = tpu.sem_alloc : memref<!tpu.dma_semaphore, #tpu.memory_space<semaphore_mem>>
      %dma_start3A_215 = arith.constant 0 : i32
      %dma_start3A_216 = tpu.memref_slice %arg2[%mul3A_2, %dma_start3A_215] : memref<6400x128xi32, #tpu.memory_space<hbm>> -> memref<200x128xi32, #tpu.memory_space<hbm>>
      %dma_start3A_217 = arith.constant 0 : i32
      %dma_start3A_218 = tpu.memref_slice %arg2[%mul3A_2, %dma_start3A_217] : memref<6400x128xi32, #tpu.memory_space<hbm>> -> memref<200x128xi32, #tpu.memory_space<hbm>>
      tpu.enqueue_dma source(%dma_start3A_218 : memref<200x128xi32, #tpu.memory_space<hbm>>) target(%arg5 : memref<200x128xi32, #tpu.memory_space<vmem>>) target_semaphore(%run_scoped3A : memref<!tpu.dma_semaphore, #tpu.memory_space<semaphore_mem>>)
      %dma_wait3A_219 = arith.constant 0 : i32
      %dma_wait3A_220 = tpu.memref_slice %arg2[%mul3A_2, %dma_wait3A_219] : memref<6400x128xi32, #tpu.memory_space<hbm>> -> memref<200x128xi32, #tpu.memory_space<hbm>>
      %dma_wait3A_221 = arith.constant 0 : i32
      %dma_wait3A_222 = tpu.memref_slice %arg2[%mul3A_2, %dma_wait3A_221] : memref<6400x128xi32, #tpu.memory_space<hbm>> -> memref<200x128xi32, #tpu.memory_space<hbm>>
      tpu.wait_dma2 semaphore(%run_scoped3A : memref<!tpu.dma_semaphore, #tpu.memory_space<semaphore_mem>>) src(%dma_wait3A_222 : memref<200x128xi32, #tpu.memory_space<hbm>>) dst(%arg5 : memref<200x128xi32, #tpu.memory_space<vmem>>)
      tpu.yield
    }) : () -> ()
    %dma_start3A = arith.constant 0 : i32
    %dma_start3A_3 = arith.constant 0 : i32
    %dma_start3A_4 = arith.constant 0 : i32
    %dma_start3A_5 = arith.constant 0 : i32
    %dma_start3A_6 = tpu.memref_slice %arg6[%dma_start3A_3, %dma_start3A_4, %dma_start3A_5] : memref<6x128x128xf32, #tpu.memory_space<vmem>> -> memref<1x128x128xf32, #tpu.memory_space<vmem>>
    %dma_start3A_7 = tpu.memref_squeeze %dma_start3A_6 : memref<1x128x128xf32, #tpu.memory_space<vmem>> -> memref<128x128xf32, #tpu.memory_space<vmem>>
    %dma_start3A_8 = arith.constant 0 : i32
    %dma_start3A_9 = tpu.memref_slice %arg5[%dma_start3A, %dma_start3A_8] : memref<200x128xi32, #tpu.memory_space<vmem>> -> memref<1x128xi32, #tpu.memory_space<vmem>>
    %dma_start3A_10 = tpu.memref_squeeze %dma_start3A_9 : memref<1x128xi32, #tpu.memory_space<vmem>> -> memref<128xi32, #tpu.memory_space<vmem>>
    %dma_start3A_11 = arith.constant 0 : i32
    %dma_start3A_12 = arith.constant 0 : i32
    %dma_start3A_13 = tpu.memref_slice %arg3[%dma_start3A_11, %dma_start3A_12] : memref<100000x128xf32, #tpu.memory_space<hbm>> -> memref<100000x128xf32, #tpu.memory_space<hbm>>
    tpu.enqueue_indirect_dma source(%dma_start3A_13 : memref<100000x128xf32, #tpu.memory_space<hbm>>) target(%dma_start3A_7 : memref<128x128xf32, #tpu.memory_space<vmem>>) offsets(%dma_start3A_10 : memref<128xi32, #tpu.memory_space<vmem>>) semaphore(%arg7 : memref<!tpu.dma_semaphore, #tpu.memory_space<semaphore_mem>>)
    %dma_start3A_14 = arith.constant 1 : i32
    %dma_start3A_15 = arith.constant 1 : i32
    %dma_start3A_16 = arith.constant 0 : i32
    %dma_start3A_17 = arith.constant 0 : i32
    %dma_start3A_18 = tpu.memref_slice %arg6[%dma_start3A_15, %dma_start3A_16, %dma_start3A_17] : memref<6x128x128xf32, #tpu.memory_space<vmem>> -> memref<1x128x128xf32, #tpu.memory_space<vmem>>
    %dma_start3A_19 = tpu.memref_squeeze %dma_start3A_18 : memref<1x128x128xf32, #tpu.memory_space<vmem>> -> memref<128x128xf32, #tpu.memory_space<vmem>>
    %dma_start3A_20 = arith.constant 0 : i32
    %dma_start3A_21 = tpu.memref_slice %arg5[%dma_start3A_14, %dma_start3A_20] : memref<200x128xi32, #tpu.memory_space<vmem>> -> memref<1x128xi32, #tpu.memory_space<vmem>>
    %dma_start3A_22 = tpu.memref_squeeze %dma_start3A_21 : memref<1x128xi32, #tpu.memory_space<vmem>> -> memref<128xi32, #tpu.memory_space<vmem>>
    %dma_start3A_23 = arith.constant 0 : i32
    %dma_start3A_24 = arith.constant 0 : i32
    %dma_start3A_25 = tpu.memref_slice %arg3[%dma_start3A_23, %dma_start3A_24] : memref<100000x128xf32, #tpu.memory_space<hbm>> -> memref<100000x128xf32, #tpu.memory_space<hbm>>
    tpu.enqueue_indirect_dma source(%dma_start3A_25 : memref<100000x128xf32, #tpu.memory_space<hbm>>) target(%dma_start3A_19 : memref<128x128xf32, #tpu.memory_space<vmem>>) offsets(%dma_start3A_22 : memref<128xi32, #tpu.memory_space<vmem>>) semaphore(%arg8 : memref<!tpu.dma_semaphore, #tpu.memory_space<semaphore_mem>>)
    %dma_start3A_26 = arith.constant 2 : i32
    %dma_start3A_27 = arith.constant 2 : i32
    %dma_start3A_28 = arith.constant 0 : i32
    %dma_start3A_29 = arith.constant 0 : i32
    %dma_start3A_30 = tpu.memref_slice %arg6[%dma_start3A_27, %dma_start3A_28, %dma_start3A_29] : memref<6x128x128xf32, #tpu.memory_space<vmem>> -> memref<1x128x128xf32, #tpu.memory_space<vmem>>
    %dma_start3A_31 = tpu.memref_squeeze %dma_start3A_30 : memref<1x128x128xf32, #tpu.memory_space<vmem>> -> memref<128x128xf32, #tpu.memory_space<vmem>>
    %dma_start3A_32 = arith.constant 0 : i32
    %dma_start3A_33 = tpu.memref_slice %arg5[%dma_start3A_26, %dma_start3A_32] : memref<200x128xi32, #tpu.memory_space<vmem>> -> memref<1x128xi32, #tpu.memory_space<vmem>>
    %dma_start3A_34 = tpu.memref_squeeze %dma_start3A_33 : memref<1x128xi32, #tpu.memory_space<vmem>> -> memref<128xi32, #tpu.memory_space<vmem>>
    %dma_start3A_35 = arith.constant 0 : i32
    %dma_start3A_36 = arith.constant 0 : i32
    %dma_start3A_37 = tpu.memref_slice %arg3[%dma_start3A_35, %dma_start3A_36] : memref<100000x128xf32, #tpu.memory_space<hbm>> -> memref<100000x128xf32, #tpu.memory_space<hbm>>
    tpu.enqueue_indirect_dma source(%dma_start3A_37 : memref<100000x128xf32, #tpu.memory_space<hbm>>) target(%dma_start3A_31 : memref<128x128xf32, #tpu.memory_space<vmem>>) offsets(%dma_start3A_34 : memref<128xi32, #tpu.memory_space<vmem>>) semaphore(%arg9 : memref<!tpu.dma_semaphore, #tpu.memory_space<semaphore_mem>>)
    %dma_start3A_38 = arith.constant 3 : i32
    %dma_start3A_39 = arith.constant 3 : i32
    %dma_start3A_40 = arith.constant 0 : i32
    %dma_start3A_41 = arith.constant 0 : i32
    %dma_start3A_42 = tpu.memref_slice %arg6[%dma_start3A_39, %dma_start3A_40, %dma_start3A_41] : memref<6x128x128xf32, #tpu.memory_space<vmem>> -> memref<1x128x128xf32, #tpu.memory_space<vmem>>
    %dma_start3A_43 = tpu.memref_squeeze %dma_start3A_42 : memref<1x128x128xf32, #tpu.memory_space<vmem>> -> memref<128x128xf32, #tpu.memory_space<vmem>>
    %dma_start3A_44 = arith.constant 0 : i32
    %dma_start3A_45 = tpu.memref_slice %arg5[%dma_start3A_38, %dma_start3A_44] : memref<200x128xi32, #tpu.memory_space<vmem>> -> memref<1x128xi32, #tpu.memory_space<vmem>>
    %dma_start3A_46 = tpu.memref_squeeze %dma_start3A_45 : memref<1x128xi32, #tpu.memory_space<vmem>> -> memref<128xi32, #tpu.memory_space<vmem>>
    %dma_start3A_47 = arith.constant 0 : i32
    %dma_start3A_48 = arith.constant 0 : i32
    %dma_start3A_49 = tpu.memref_slice %arg3[%dma_start3A_47, %dma_start3A_48] : memref<100000x128xf32, #tpu.memory_space<hbm>> -> memref<100000x128xf32, #tpu.memory_space<hbm>>
    tpu.enqueue_indirect_dma source(%dma_start3A_49 : memref<100000x128xf32, #tpu.memory_space<hbm>>) target(%dma_start3A_43 : memref<128x128xf32, #tpu.memory_space<vmem>>) offsets(%dma_start3A_46 : memref<128xi32, #tpu.memory_space<vmem>>) semaphore(%arg10 : memref<!tpu.dma_semaphore, #tpu.memory_space<semaphore_mem>>)
    %scan3A = arith.constant 0 : i32
    %scan3A_50 = arith.constant 0 : i32
    %scan3A_51 = arith.constant 33 : i32
    %scan3A_52 = arith.addi %scan3A_50, %scan3A_51 : i32
    %scan3A_53 = arith.constant 1 : i32
    %scan3A_54 = scf.for %scan3A_215 = %scan3A_50 to %scan3A_52 step %scan3A_53 iter_args(%scan3A_216 = %scan3A) -> (i32)  : i32 {
      %mul3A_217 = arith.constant 6 : i32
      %mul3A_218 = arith.muli %scan3A_215, %mul3A_217 : i32
      %add3A_219 = arith.constant 0 : i32
      %add3A_220 = arith.addi %mul3A_218, %add3A_219 : i32
      %add3A_221 = arith.constant 4 : i32
      %add3A_222 = arith.addi %add3A_220, %add3A_221 : i32
      %lt3A = arith.constant 200 : i32
      %lt3A_223 = arith.cmpi slt, %add3A_222, %lt3A : i32
      %convert_element_type3A = arith.extui %lt3A_223 : i1 to i32
      %cond3A = arith.constant 0 : i32
      %cond3A_224 = arith.cmpi ne, %convert_element_type3A, %cond3A : i32
      scf.if %cond3A_224 {
        %add3A_443 = arith.constant 4 : i32
        %add3A_444 = arith.addi %add3A_220, %add3A_443 : i32
        %ge3A = arith.constant 6 : i32
        %ge3A_445 = arith.cmpi sge, %add3A_444, %ge3A : i32
        %convert_element_type3A_446 = arith.extui %ge3A_445 : i1 to i32
        %cond3A_447 = arith.constant 0 : i32
        %cond3A_448 = arith.cmpi ne, %convert_element_type3A_446, %cond3A_447 : i32
        scf.if %cond3A_448 {
          %add3A_462 = arith.constant 4 : i32
          %add3A_463 = arith.addi %add3A_220, %add3A_462 : i32
          %sub3A = arith.constant 6 : i32
          %sub3A_464 = arith.subi %add3A_463, %sub3A : i32
          %add3A_465 = arith.addi %mul3A_2, %sub3A_464 : i32
          %mul3A_466 = arith.constant 128 : i32
          %mul3A_467 = arith.muli %add3A_465, %mul3A_466 : i32
          %dma_wait3A_468 = arith.constant 4 : i32
          %dma_wait3A_469 = arith.constant 0 : i32
          %dma_wait3A_470 = arith.constant 0 : i32
          %dma_wait3A_471 = tpu.memref_slice %arg6[%dma_wait3A_468, %dma_wait3A_469, %dma_wait3A_470] : memref<6x128x128xf32, #tpu.memory_space<vmem>> -> memref<1x128x128xf32, #tpu.memory_space<vmem>>
          %dma_wait3A_472 = tpu.memref_squeeze %dma_wait3A_471 : memref<1x128x128xf32, #tpu.memory_space<vmem>> -> memref<128x128xf32, #tpu.memory_space<vmem>>
          %dma_wait3A_473 = arith.constant 0 : i32
          %dma_wait3A_474 = tpu.memref_slice %arg4[%mul3A_467, %dma_wait3A_473] : memref<819200x128xf32, #tpu.memory_space<hbm>> -> memref<128x128xf32, #tpu.memory_space<hbm>>
          %dma_wait3A_475 = arith.constant 0 : i32
          %dma_wait3A_476 = tpu.memref_slice %arg4[%mul3A_467, %dma_wait3A_475] : memref<819200x128xf32, #tpu.memory_space<hbm>> -> memref<128x128xf32, #tpu.memory_space<hbm>>
          %dma_wait3A_477 = arith.constant 0 : i32
          %dma_wait3A_478 = arith.constant 0 : i32
          %dma_wait3A_479 = tpu.memref_slice %arg6[%dma_wait3A_468, %dma_wait3A_477, %dma_wait3A_478] : memref<6x128x128xf32, #tpu.memory_space<vmem>> -> memref<1x128x128xf32, #tpu.memory_space<vmem>>
          %dma_wait3A_480 = tpu.memref_squeeze %dma_wait3A_479 : memref<1x128x128xf32, #tpu.memory_space<vmem>> -> memref<128x128xf32, #tpu.memory_space<vmem>>
          tpu.wait_dma2 semaphore(%arg17 : memref<!tpu.dma_semaphore, #tpu.memory_space<semaphore_mem>>) src(%dma_wait3A_480 : memref<128x128xf32, #tpu.memory_space<vmem>>) dst(%dma_wait3A_476 : memref<128x128xf32, #tpu.memory_space<hbm>>)
        } else {
        }
        %add3A_449 = arith.constant 4 : i32
        %add3A_450 = arith.addi %add3A_220, %add3A_449 : i32
        %dma_start3A_451 = arith.constant 4 : i32
        %dma_start3A_452 = arith.constant 0 : i32
        %dma_start3A_453 = arith.constant 0 : i32
        %dma_start3A_454 = tpu.memref_slice %arg6[%dma_start3A_451, %dma_start3A_452, %dma_start3A_453] : memref<6x128x128xf32, #tpu.memory_space<vmem>> -> memref<1x128x128xf32, #tpu.memory_space<vmem>>
        %dma_start3A_455 = tpu.memref_squeeze %dma_start3A_454 : memref<1x128x128xf32, #tpu.memory_space<vmem>> -> memref<128x128xf32, #tpu.memory_space<vmem>>
        %dma_start3A_456 = arith.constant 0 : i32
        %dma_start3A_457 = tpu.memref_slice %arg5[%add3A_450, %dma_start3A_456] : memref<200x128xi32, #tpu.memory_space<vmem>> -> memref<1x128xi32, #tpu.memory_space<vmem>>
        %dma_start3A_458 = tpu.memref_squeeze %dma_start3A_457 : memref<1x128xi32, #tpu.memory_space<vmem>> -> memref<128xi32, #tpu.memory_space<vmem>>
        %dma_start3A_459 = arith.constant 0 : i32
        %dma_start3A_460 = arith.constant 0 : i32
        %dma_start3A_461 = tpu.memref_slice %arg3[%dma_start3A_459, %dma_start3A_460] : memref<100000x128xf32, #tpu.memory_space<hbm>> -> memref<100000x128xf32, #tpu.memory_space<hbm>>
        tpu.enqueue_indirect_dma source(%dma_start3A_461 : memref<100000x128xf32, #tpu.memory_space<hbm>>) target(%dma_start3A_455 : memref<128x128xf32, #tpu.memory_space<vmem>>) offsets(%dma_start3A_458 : memref<128xi32, #tpu.memory_space<vmem>>) semaphore(%arg11 : memref<!tpu.dma_semaphore, #tpu.memory_space<semaphore_mem>>)
      } else {
      }
      %dma_wait3A_225 = arith.constant 0 : i32
      %dma_wait3A_226 = arith.constant 0 : i32
      %dma_wait3A_227 = arith.constant 0 : i32
      %dma_wait3A_228 = tpu.memref_slice %arg6[%dma_wait3A_225, %dma_wait3A_226, %dma_wait3A_227] : memref<6x128x128xf32, #tpu.memory_space<vmem>> -> memref<1x128x128xf32, #tpu.memory_space<vmem>>
      %dma_wait3A_229 = tpu.memref_squeeze %dma_wait3A_228 : memref<1x128x128xf32, #tpu.memory_space<vmem>> -> memref<128x128xf32, #tpu.memory_space<vmem>>
      %dma_wait3A_230 = arith.constant 0 : i32
      %dma_wait3A_231 = tpu.memref_slice %arg5[%add3A_220, %dma_wait3A_230] : memref<200x128xi32, #tpu.memory_space<vmem>> -> memref<1x128xi32, #tpu.memory_space<vmem>>
      %dma_wait3A_232 = tpu.memref_squeeze %dma_wait3A_231 : memref<1x128xi32, #tpu.memory_space<vmem>> -> memref<128xi32, #tpu.memory_space<vmem>>
      %dma_wait3A_233 = arith.constant 0 : i32
      %dma_wait3A_234 = arith.constant 0 : i32
      %dma_wait3A_235 = tpu.memref_slice %arg3[%dma_wait3A_233, %dma_wait3A_234] : memref<100000x128xf32, #tpu.memory_space<hbm>> -> memref<100000x128xf32, #tpu.memory_space<hbm>>
      tpu.wait_indirect_dma semaphore(%arg7 : memref<!tpu.dma_semaphore, #tpu.memory_space<semaphore_mem>>) src(%dma_wait3A_235 : memref<100000x128xf32, #tpu.memory_space<hbm>>) dst(%dma_wait3A_229 : memref<128x128xf32, #tpu.memory_space<vmem>>)
      %add3A_236 = arith.addi %mul3A_2, %add3A_220 : i32
      %mul3A_237 = arith.constant 128 : i32
      %mul3A_238 = arith.muli %add3A_236, %mul3A_237 : i32
      %dma_start3A_239 = arith.constant 0 : i32
      %dma_start3A_240 = arith.constant 0 : i32
      %dma_start3A_241 = arith.constant 0 : i32
      %dma_start3A_242 = tpu.memref_slice %arg6[%dma_start3A_239, %dma_start3A_240, %dma_start3A_241] : memref<6x128x128xf32, #tpu.memory_space<vmem>> -> memref<1x128x128xf32, #tpu.memory_space<vmem>>
      %dma_start3A_243 = tpu.memref_squeeze %dma_start3A_242 : memref<1x128x128xf32, #tpu.memory_space<vmem>> -> memref<128x128xf32, #tpu.memory_space<vmem>>
      %dma_start3A_244 = arith.constant 0 : i32
      %dma_start3A_245 = tpu.memref_slice %arg4[%mul3A_238, %dma_start3A_244] : memref<819200x128xf32, #tpu.memory_space<hbm>> -> memref<128x128xf32, #tpu.memory_space<hbm>>
      %dma_start3A_246 = arith.constant 0 : i32
      %dma_start3A_247 = tpu.memref_slice %arg4[%mul3A_238, %dma_start3A_246] : memref<819200x128xf32, #tpu.memory_space<hbm>> -> memref<128x128xf32, #tpu.memory_space<hbm>>
      %dma_start3A_248 = arith.constant 0 : i32
      %dma_start3A_249 = arith.constant 0 : i32
      %dma_start3A_250 = tpu.memref_slice %arg6[%dma_start3A_239, %dma_start3A_248, %dma_start3A_249] : memref<6x128x128xf32, #tpu.memory_space<vmem>> -> memref<1x128x128xf32, #tpu.memory_space<vmem>>
      %dma_start3A_251 = tpu.memref_squeeze %dma_start3A_250 : memref<1x128x128xf32, #tpu.memory_space<vmem>> -> memref<128x128xf32, #tpu.memory_space<vmem>>
      tpu.enqueue_dma source(%dma_start3A_251 : memref<128x128xf32, #tpu.memory_space<vmem>>) target(%dma_start3A_247 : memref<128x128xf32, #tpu.memory_space<hbm>>) target_semaphore(%arg13 : memref<!tpu.dma_semaphore, #tpu.memory_space<semaphore_mem>>)
      %mul3A_252 = arith.constant 6 : i32
      %mul3A_253 = arith.muli %scan3A_215, %mul3A_252 : i32
      %add3A_254 = arith.constant 1 : i32
      %add3A_255 = arith.addi %mul3A_253, %add3A_254 : i32
      %add3A_256 = arith.constant 4 : i32
      %add3A_257 = arith.addi %add3A_255, %add3A_256 : i32
      %lt3A_258 = arith.constant 200 : i32
      %lt3A_259 = arith.cmpi slt, %add3A_257, %lt3A_258 : i32
      %convert_element_type3A_260 = arith.extui %lt3A_259 : i1 to i32
      %cond3A_261 = arith.constant 0 : i32
      %cond3A_262 = arith.cmpi ne, %convert_element_type3A_260, %cond3A_261 : i32
      scf.if %cond3A_262 {
        %add3A_443 = arith.constant 4 : i32
        %add3A_444 = arith.addi %add3A_255, %add3A_443 : i32
        %ge3A = arith.constant 6 : i32
        %ge3A_445 = arith.cmpi sge, %add3A_444, %ge3A : i32
        %convert_element_type3A_446 = arith.extui %ge3A_445 : i1 to i32
        %cond3A_447 = arith.constant 0 : i32
        %cond3A_448 = arith.cmpi ne, %convert_element_type3A_446, %cond3A_447 : i32
        scf.if %cond3A_448 {
          %add3A_462 = arith.constant 4 : i32
          %add3A_463 = arith.addi %add3A_255, %add3A_462 : i32
          %sub3A = arith.constant 6 : i32
          %sub3A_464 = arith.subi %add3A_463, %sub3A : i32
          %add3A_465 = arith.addi %mul3A_2, %sub3A_464 : i32
          %mul3A_466 = arith.constant 128 : i32
          %mul3A_467 = arith.muli %add3A_465, %mul3A_466 : i32
          %dma_wait3A_468 = arith.constant 5 : i32
          %dma_wait3A_469 = arith.constant 0 : i32
          %dma_wait3A_470 = arith.constant 0 : i32
          %dma_wait3A_471 = tpu.memref_slice %arg6[%dma_wait3A_468, %dma_wait3A_469, %dma_wait3A_470] : memref<6x128x128xf32, #tpu.memory_space<vmem>> -> memref<1x128x128xf32, #tpu.memory_space<vmem>>
          %dma_wait3A_472 = tpu.memref_squeeze %dma_wait3A_471 : memref<1x128x128xf32, #tpu.memory_space<vmem>> -> memref<128x128xf32, #tpu.memory_space<vmem>>
          %dma_wait3A_473 = arith.constant 0 : i32
          %dma_wait3A_474 = tpu.memref_slice %arg4[%mul3A_467, %dma_wait3A_473] : memref<819200x128xf32, #tpu.memory_space<hbm>> -> memref<128x128xf32, #tpu.memory_space<hbm>>
          %dma_wait3A_475 = arith.constant 0 : i32
          %dma_wait3A_476 = tpu.memref_slice %arg4[%mul3A_467, %dma_wait3A_475] : memref<819200x128xf32, #tpu.memory_space<hbm>> -> memref<128x128xf32, #tpu.memory_space<hbm>>
          %dma_wait3A_477 = arith.constant 0 : i32
          %dma_wait3A_478 = arith.constant 0 : i32
          %dma_wait3A_479 = tpu.memref_slice %arg6[%dma_wait3A_468, %dma_wait3A_477, %dma_wait3A_478] : memref<6x128x128xf32, #tpu.memory_space<vmem>> -> memref<1x128x128xf32, #tpu.memory_space<vmem>>
          %dma_wait3A_480 = tpu.memref_squeeze %dma_wait3A_479 : memref<1x128x128xf32, #tpu.memory_space<vmem>> -> memref<128x128xf32, #tpu.memory_space<vmem>>
          tpu.wait_dma2 semaphore(%arg18 : memref<!tpu.dma_semaphore, #tpu.memory_space<semaphore_mem>>) src(%dma_wait3A_480 : memref<128x128xf32, #tpu.memory_space<vmem>>) dst(%dma_wait3A_476 : memref<128x128xf32, #tpu.memory_space<hbm>>)
        } else {
        }
        %add3A_449 = arith.constant 4 : i32
        %add3A_450 = arith.addi %add3A_255, %add3A_449 : i32
        %dma_start3A_451 = arith.constant 5 : i32
        %dma_start3A_452 = arith.constant 0 : i32
        %dma_start3A_453 = arith.constant 0 : i32
        %dma_start3A_454 = tpu.memref_slice %arg6[%dma_start3A_451, %dma_start3A_452, %dma_start3A_453] : memref<6x128x128xf32, #tpu.memory_space<vmem>> -> memref<1x128x128xf32, #tpu.memory_space<vmem>>
        %dma_start3A_455 = tpu.memref_squeeze %dma_start3A_454 : memref<1x128x128xf32, #tpu.memory_space<vmem>> -> memref<128x128xf32, #tpu.memory_space<vmem>>
        %dma_start3A_456 = arith.constant 0 : i32
        %dma_start3A_457 = tpu.memref_slice %arg5[%add3A_450, %dma_start3A_456] : memref<200x128xi32, #tpu.memory_space<vmem>> -> memref<1x128xi32, #tpu.memory_space<vmem>>
        %dma_start3A_458 = tpu.memref_squeeze %dma_start3A_457 : memref<1x128xi32, #tpu.memory_space<vmem>> -> memref<128xi32, #tpu.memory_space<vmem>>
        %dma_start3A_459 = arith.constant 0 : i32
        %dma_start3A_460 = arith.constant 0 : i32
        %dma_start3A_461 = tpu.memref_slice %arg3[%dma_start3A_459, %dma_start3A_460] : memref<100000x128xf32, #tpu.memory_space<hbm>> -> memref<100000x128xf32, #tpu.memory_space<hbm>>
        tpu.enqueue_indirect_dma source(%dma_start3A_461 : memref<100000x128xf32, #tpu.memory_space<hbm>>) target(%dma_start3A_455 : memref<128x128xf32, #tpu.memory_space<vmem>>) offsets(%dma_start3A_458 : memref<128xi32, #tpu.memory_space<vmem>>) semaphore(%arg12 : memref<!tpu.dma_semaphore, #tpu.memory_space<semaphore_mem>>)
      } else {
      }
      %dma_wait3A_263 = arith.constant 1 : i32
      %dma_wait3A_264 = arith.constant 0 : i32
      %dma_wait3A_265 = arith.constant 0 : i32
      %dma_wait3A_266 = tpu.memref_slice %arg6[%dma_wait3A_263, %dma_wait3A_264, %dma_wait3A_265] : memref<6x128x128xf32, #tpu.memory_space<vmem>> -> memref<1x128x128xf32, #tpu.memory_space<vmem>>
      %dma_wait3A_267 = tpu.memref_squeeze %dma_wait3A_266 : memref<1x128x128xf32, #tpu.memory_space<vmem>> -> memref<128x128xf32, #tpu.memory_space<vmem>>
      %dma_wait3A_268 = arith.constant 0 : i32
      %dma_wait3A_269 = tpu.memref_slice %arg5[%add3A_255, %dma_wait3A_268] : memref<200x128xi32, #tpu.memory_space<vmem>> -> memref<1x128xi32, #tpu.memory_space<vmem>>
      %dma_wait3A_270 = tpu.memref_squeeze %dma_wait3A_269 : memref<1x128xi32, #tpu.memory_space<vmem>> -> memref<128xi32, #tpu.memory_space<vmem>>
      %dma_wait3A_271 = arith.constant 0 : i32
      %dma_wait3A_272 = arith.constant 0 : i32
      %dma_wait3A_273 = tpu.memref_slice %arg3[%dma_wait3A_271, %dma_wait3A_272] : memref<100000x128xf32, #tpu.memory_space<hbm>> -> memref<100000x128xf32, #tpu.memory_space<hbm>>
      tpu.wait_indirect_dma semaphore(%arg8 : memref<!tpu.dma_semaphore, #tpu.memory_space<semaphore_mem>>) src(%dma_wait3A_273 : memref<100000x128xf32, #tpu.memory_space<hbm>>) dst(%dma_wait3A_267 : memref<128x128xf32, #tpu.memory_space<vmem>>)
      %add3A_274 = arith.addi %mul3A_2, %add3A_255 : i32
      %mul3A_275 = arith.constant 128 : i32
      %mul3A_276 = arith.muli %add3A_274, %mul3A_275 : i32
      %dma_start3A_277 = arith.constant 1 : i32
      %dma_start3A_278 = arith.constant 0 : i32
      %dma_start3A_279 = arith.constant 0 : i32
      %dma_start3A_280 = tpu.memref_slice %arg6[%dma_start3A_277, %dma_start3A_278, %dma_start3A_279] : memref<6x128x128xf32, #tpu.memory_space<vmem>> -> memref<1x128x128xf32, #tpu.memory_space<vmem>>
      %dma_start3A_281 = tpu.memref_squeeze %dma_start3A_280 : memref<1x128x128xf32, #tpu.memory_space<vmem>> -> memref<128x128xf32, #tpu.memory_space<vmem>>
      %dma_start3A_282 = arith.constant 0 : i32
      %dma_start3A_283 = tpu.memref_slice %arg4[%mul3A_276, %dma_start3A_282] : memref<819200x128xf32, #tpu.memory_space<hbm>> -> memref<128x128xf32, #tpu.memory_space<hbm>>
      %dma_start3A_284 = arith.constant 0 : i32
      %dma_start3A_285 = tpu.memref_slice %arg4[%mul3A_276, %dma_start3A_284] : memref<819200x128xf32, #tpu.memory_space<hbm>> -> memref<128x128xf32, #tpu.memory_space<hbm>>
      %dma_start3A_286 = arith.constant 0 : i32
      %dma_start3A_287 = arith.constant 0 : i32
      %dma_start3A_288 = tpu.memref_slice %arg6[%dma_start3A_277, %dma_start3A_286, %dma_start3A_287] : memref<6x128x128xf32, #tpu.memory_space<vmem>> -> memref<1x128x128xf32, #tpu.memory_space<vmem>>
      %dma_start3A_289 = tpu.memref_squeeze %dma_start3A_288 : memref<1x128x128xf32, #tpu.memory_space<vmem>> -> memref<128x128xf32, #tpu.memory_space<vmem>>
      tpu.enqueue_dma source(%dma_start3A_289 : memref<128x128xf32, #tpu.memory_space<vmem>>) target(%dma_start3A_285 : memref<128x128xf32, #tpu.memory_space<hbm>>) target_semaphore(%arg14 : memref<!tpu.dma_semaphore, #tpu.memory_space<semaphore_mem>>)
      %mul3A_290 = arith.constant 6 : i32
      %mul3A_291 = arith.muli %scan3A_215, %mul3A_290 : i32
      %add3A_292 = arith.constant 2 : i32
      %add3A_293 = arith.addi %mul3A_291, %add3A_292 : i32
      %add3A_294 = arith.constant 4 : i32
      %add3A_295 = arith.addi %add3A_293, %add3A_294 : i32
      %lt3A_296 = arith.constant 200 : i32
      %lt3A_297 = arith.cmpi slt, %add3A_295, %lt3A_296 : i32
      %convert_element_type3A_298 = arith.extui %lt3A_297 : i1 to i32
      %cond3A_299 = arith.constant 0 : i32
      %cond3A_300 = arith.cmpi ne, %convert_element_type3A_298, %cond3A_299 : i32
      scf.if %cond3A_300 {
        %add3A_443 = arith.constant 4 : i32
        %add3A_444 = arith.addi %add3A_293, %add3A_443 : i32
        %ge3A = arith.constant 6 : i32
        %ge3A_445 = arith.cmpi sge, %add3A_444, %ge3A : i32
        %convert_element_type3A_446 = arith.extui %ge3A_445 : i1 to i32
        %cond3A_447 = arith.constant 0 : i32
        %cond3A_448 = arith.cmpi ne, %convert_element_type3A_446, %cond3A_447 : i32
        scf.if %cond3A_448 {
          %add3A_462 = arith.constant 4 : i32
          %add3A_463 = arith.addi %add3A_293, %add3A_462 : i32
          %sub3A = arith.constant 6 : i32
          %sub3A_464 = arith.subi %add3A_463, %sub3A : i32
          %add3A_465 = arith.addi %mul3A_2, %sub3A_464 : i32
          %mul3A_466 = arith.constant 128 : i32
          %mul3A_467 = arith.muli %add3A_465, %mul3A_466 : i32
          %dma_wait3A_468 = arith.constant 0 : i32
          %dma_wait3A_469 = arith.constant 0 : i32
          %dma_wait3A_470 = arith.constant 0 : i32
          %dma_wait3A_471 = tpu.memref_slice %arg6[%dma_wait3A_468, %dma_wait3A_469, %dma_wait3A_470] : memref<6x128x128xf32, #tpu.memory_space<vmem>> -> memref<1x128x128xf32, #tpu.memory_space<vmem>>
          %dma_wait3A_472 = tpu.memref_squeeze %dma_wait3A_471 : memref<1x128x128xf32, #tpu.memory_space<vmem>> -> memref<128x128xf32, #tpu.memory_space<vmem>>
          %dma_wait3A_473 = arith.constant 0 : i32
          %dma_wait3A_474 = tpu.memref_slice %arg4[%mul3A_467, %dma_wait3A_473] : memref<819200x128xf32, #tpu.memory_space<hbm>> -> memref<128x128xf32, #tpu.memory_space<hbm>>
          %dma_wait3A_475 = arith.constant 0 : i32
          %dma_wait3A_476 = tpu.memref_slice %arg4[%mul3A_467, %dma_wait3A_475] : memref<819200x128xf32, #tpu.memory_space<hbm>> -> memref<128x128xf32, #tpu.memory_space<hbm>>
          %dma_wait3A_477 = arith.constant 0 : i32
          %dma_wait3A_478 = arith.constant 0 : i32
          %dma_wait3A_479 = tpu.memref_slice %arg6[%dma_wait3A_468, %dma_wait3A_477, %dma_wait3A_478] : memref<6x128x128xf32, #tpu.memory_space<vmem>> -> memref<1x128x128xf32, #tpu.memory_space<vmem>>
          %dma_wait3A_480 = tpu.memref_squeeze %dma_wait3A_479 : memref<1x128x128xf32, #tpu.memory_space<vmem>> -> memref<128x128xf32, #tpu.memory_space<vmem>>
          tpu.wait_dma2 semaphore(%arg13 : memref<!tpu.dma_semaphore, #tpu.memory_space<semaphore_mem>>) src(%dma_wait3A_480 : memref<128x128xf32, #tpu.memory_space<vmem>>) dst(%dma_wait3A_476 : memref<128x128xf32, #tpu.memory_space<hbm>>)
        } else {
        }
        %add3A_449 = arith.constant 4 : i32
        %add3A_450 = arith.addi %add3A_293, %add3A_449 : i32
        %dma_start3A_451 = arith.constant 0 : i32
        %dma_start3A_452 = arith.constant 0 : i32
        %dma_start3A_453 = arith.constant 0 : i32
        %dma_start3A_454 = tpu.memref_slice %arg6[%dma_start3A_451, %dma_start3A_452, %dma_start3A_453] : memref<6x128x128xf32, #tpu.memory_space<vmem>> -> memref<1x128x128xf32, #tpu.memory_space<vmem>>
        %dma_start3A_455 = tpu.memref_squeeze %dma_start3A_454 : memref<1x128x128xf32, #tpu.memory_space<vmem>> -> memref<128x128xf32, #tpu.memory_space<vmem>>
        %dma_start3A_456 = arith.constant 0 : i32
        %dma_start3A_457 = tpu.memref_slice %arg5[%add3A_450, %dma_start3A_456] : memref<200x128xi32, #tpu.memory_space<vmem>> -> memref<1x128xi32, #tpu.memory_space<vmem>>
        %dma_start3A_458 = tpu.memref_squeeze %dma_start3A_457 : memref<1x128xi32, #tpu.memory_space<vmem>> -> memref<128xi32, #tpu.memory_space<vmem>>
        %dma_start3A_459 = arith.constant 0 : i32
        %dma_start3A_460 = arith.constant 0 : i32
        %dma_start3A_461 = tpu.memref_slice %arg3[%dma_start3A_459, %dma_start3A_460] : memref<100000x128xf32, #tpu.memory_space<hbm>> -> memref<100000x128xf32, #tpu.memory_space<hbm>>
        tpu.enqueue_indirect_dma source(%dma_start3A_461 : memref<100000x128xf32, #tpu.memory_space<hbm>>) target(%dma_start3A_455 : memref<128x128xf32, #tpu.memory_space<vmem>>) offsets(%dma_start3A_458 : memref<128xi32, #tpu.memory_space<vmem>>) semaphore(%arg7 : memref<!tpu.dma_semaphore, #tpu.memory_space<semaphore_mem>>)
      } else {
      }
      %dma_wait3A_301 = arith.constant 2 : i32
      %dma_wait3A_302 = arith.constant 0 : i32
      %dma_wait3A_303 = arith.constant 0 : i32
      %dma_wait3A_304 = tpu.memref_slice %arg6[%dma_wait3A_301, %dma_wait3A_302, %dma_wait3A_303] : memref<6x128x128xf32, #tpu.memory_space<vmem>> -> memref<1x128x128xf32, #tpu.memory_space<vmem>>
      %dma_wait3A_305 = tpu.memref_squeeze %dma_wait3A_304 : memref<1x128x128xf32, #tpu.memory_space<vmem>> -> memref<128x128xf32, #tpu.memory_space<vmem>>
      %dma_wait3A_306 = arith.constant 0 : i32
      %dma_wait3A_307 = tpu.memref_slice %arg5[%add3A_293, %dma_wait3A_306] : memref<200x128xi32, #tpu.memory_space<vmem>> -> memref<1x128xi32, #tpu.memory_space<vmem>>
      %dma_wait3A_308 = tpu.memref_squeeze %dma_wait3A_307 : memref<1x128xi32, #tpu.memory_space<vmem>> -> memref<128xi32, #tpu.memory_space<vmem>>
      %dma_wait3A_309 = arith.constant 0 : i32
      %dma_wait3A_310 = arith.constant 0 : i32
      %dma_wait3A_311 = tpu.memref_slice %arg3[%dma_wait3A_309, %dma_wait3A_310] : memref<100000x128xf32, #tpu.memory_space<hbm>> -> memref<100000x128xf32, #tpu.memory_space<hbm>>
      tpu.wait_indirect_dma semaphore(%arg9 : memref<!tpu.dma_semaphore, #tpu.memory_space<semaphore_mem>>) src(%dma_wait3A_311 : memref<100000x128xf32, #tpu.memory_space<hbm>>) dst(%dma_wait3A_305 : memref<128x128xf32, #tpu.memory_space<vmem>>)
      %add3A_312 = arith.addi %mul3A_2, %add3A_293 : i32
      %mul3A_313 = arith.constant 128 : i32
      %mul3A_314 = arith.muli %add3A_312, %mul3A_313 : i32
      %dma_start3A_315 = arith.constant 2 : i32
      %dma_start3A_316 = arith.constant 0 : i32
      %dma_start3A_317 = arith.constant 0 : i32
      %dma_start3A_318 = tpu.memref_slice %arg6[%dma_start3A_315, %dma_start3A_316, %dma_start3A_317] : memref<6x128x128xf32, #tpu.memory_space<vmem>> -> memref<1x128x128xf32, #tpu.memory_space<vmem>>
      %dma_start3A_319 = tpu.memref_squeeze %dma_start3A_318 : memref<1x128x128xf32, #tpu.memory_space<vmem>> -> memref<128x128xf32, #tpu.memory_space<vmem>>
      %dma_start3A_320 = arith.constant 0 : i32
      %dma_start3A_321 = tpu.memref_slice %arg4[%mul3A_314, %dma_start3A_320] : memref<819200x128xf32, #tpu.memory_space<hbm>> -> memref<128x128xf32, #tpu.memory_space<hbm>>
      %dma_start3A_322 = arith.constant 0 : i32
      %dma_start3A_323 = tpu.memref_slice %arg4[%mul3A_314, %dma_start3A_322] : memref<819200x128xf32, #tpu.memory_space<hbm>> -> memref<128x128xf32, #tpu.memory_space<hbm>>
      %dma_start3A_324 = arith.constant 0 : i32
      %dma_start3A_325 = arith.constant 0 : i32
      %dma_start3A_326 = tpu.memref_slice %arg6[%dma_start3A_315, %dma_start3A_324, %dma_start3A_325] : memref<6x128x128xf32, #tpu.memory_space<vmem>> -> memref<1x128x128xf32, #tpu.memory_space<vmem>>
      %dma_start3A_327 = tpu.memref_squeeze %dma_start3A_326 : memref<1x128x128xf32, #tpu.memory_space<vmem>> -> memref<128x128xf32, #tpu.memory_space<vmem>>
      tpu.enqueue_dma source(%dma_start3A_327 : memref<128x128xf32, #tpu.memory_space<vmem>>) target(%dma_start3A_323 : memref<128x128xf32, #tpu.memory_space<hbm>>) target_semaphore(%arg15 : memref<!tpu.dma_semaphore, #tpu.memory_space<semaphore_mem>>)
      %mul3A_328 = arith.constant 6 : i32
      %mul3A_329 = arith.muli %scan3A_215, %mul3A_328 : i32
      %add3A_330 = arith.constant 3 : i32
      %add3A_331 = arith.addi %mul3A_329, %add3A_330 : i32
      %add3A_332 = arith.constant 4 : i32
      %add3A_333 = arith.addi %add3A_331, %add3A_332 : i32
      %lt3A_334 = arith.constant 200 : i32
      %lt3A_335 = arith.cmpi slt, %add3A_333, %lt3A_334 : i32
      %convert_element_type3A_336 = arith.extui %lt3A_335 : i1 to i32
      %cond3A_337 = arith.constant 0 : i32
      %cond3A_338 = arith.cmpi ne, %convert_element_type3A_336, %cond3A_337 : i32
      scf.if %cond3A_338 {
        %add3A_443 = arith.constant 4 : i32
        %add3A_444 = arith.addi %add3A_331, %add3A_443 : i32
        %ge3A = arith.constant 6 : i32
        %ge3A_445 = arith.cmpi sge, %add3A_444, %ge3A : i32
        %convert_element_type3A_446 = arith.extui %ge3A_445 : i1 to i32
        %cond3A_447 = arith.constant 0 : i32
        %cond3A_448 = arith.cmpi ne, %convert_element_type3A_446, %cond3A_447 : i32
        scf.if %cond3A_448 {
          %add3A_462 = arith.constant 4 : i32
          %add3A_463 = arith.addi %add3A_331, %add3A_462 : i32
          %sub3A = arith.constant 6 : i32
          %sub3A_464 = arith.subi %add3A_463, %sub3A : i32
          %add3A_465 = arith.addi %mul3A_2, %sub3A_464 : i32
          %mul3A_466 = arith.constant 128 : i32
          %mul3A_467 = arith.muli %add3A_465, %mul3A_466 : i32
          %dma_wait3A_468 = arith.constant 1 : i32
          %dma_wait3A_469 = arith.constant 0 : i32
          %dma_wait3A_470 = arith.constant 0 : i32
          %dma_wait3A_471 = tpu.memref_slice %arg6[%dma_wait3A_468, %dma_wait3A_469, %dma_wait3A_470] : memref<6x128x128xf32, #tpu.memory_space<vmem>> -> memref<1x128x128xf32, #tpu.memory_space<vmem>>
          %dma_wait3A_472 = tpu.memref_squeeze %dma_wait3A_471 : memref<1x128x128xf32, #tpu.memory_space<vmem>> -> memref<128x128xf32, #tpu.memory_space<vmem>>
          %dma_wait3A_473 = arith.constant 0 : i32
          %dma_wait3A_474 = tpu.memref_slice %arg4[%mul3A_467, %dma_wait3A_473] : memref<819200x128xf32, #tpu.memory_space<hbm>> -> memref<128x128xf32, #tpu.memory_space<hbm>>
          %dma_wait3A_475 = arith.constant 0 : i32
          %dma_wait3A_476 = tpu.memref_slice %arg4[%mul3A_467, %dma_wait3A_475] : memref<819200x128xf32, #tpu.memory_space<hbm>> -> memref<128x128xf32, #tpu.memory_space<hbm>>
          %dma_wait3A_477 = arith.constant 0 : i32
          %dma_wait3A_478 = arith.constant 0 : i32
          %dma_wait3A_479 = tpu.memref_slice %arg6[%dma_wait3A_468, %dma_wait3A_477, %dma_wait3A_478] : memref<6x128x128xf32, #tpu.memory_space<vmem>> -> memref<1x128x128xf32, #tpu.memory_space<vmem>>
          %dma_wait3A_480 = tpu.memref_squeeze %dma_wait3A_479 : memref<1x128x128xf32, #tpu.memory_space<vmem>> -> memref<128x128xf32, #tpu.memory_space<vmem>>
          tpu.wait_dma2 semaphore(%arg14 : memref<!tpu.dma_semaphore, #tpu.memory_space<semaphore_mem>>) src(%dma_wait3A_480 : memref<128x128xf32, #tpu.memory_space<vmem>>) dst(%dma_wait3A_476 : memref<128x128xf32, #tpu.memory_space<hbm>>)
        } else {
        }
        %add3A_449 = arith.constant 4 : i32
        %add3A_450 = arith.addi %add3A_331, %add3A_449 : i32
        %dma_start3A_451 = arith.constant 1 : i32
        %dma_start3A_452 = arith.constant 0 : i32
        %dma_start3A_453 = arith.constant 0 : i32
        %dma_start3A_454 = tpu.memref_slice %arg6[%dma_start3A_451, %dma_start3A_452, %dma_start3A_453] : memref<6x128x128xf32, #tpu.memory_space<vmem>> -> memref<1x128x128xf32, #tpu.memory_space<vmem>>
        %dma_start3A_455 = tpu.memref_squeeze %dma_start3A_454 : memref<1x128x128xf32, #tpu.memory_space<vmem>> -> memref<128x128xf32, #tpu.memory_space<vmem>>
        %dma_start3A_456 = arith.constant 0 : i32
        %dma_start3A_457 = tpu.memref_slice %arg5[%add3A_450, %dma_start3A_456] : memref<200x128xi32, #tpu.memory_space<vmem>> -> memref<1x128xi32, #tpu.memory_space<vmem>>
        %dma_start3A_458 = tpu.memref_squeeze %dma_start3A_457 : memref<1x128xi32, #tpu.memory_space<vmem>> -> memref<128xi32, #tpu.memory_space<vmem>>
        %dma_start3A_459 = arith.constant 0 : i32
        %dma_start3A_460 = arith.constant 0 : i32
        %dma_start3A_461 = tpu.memref_slice %arg3[%dma_start3A_459, %dma_start3A_460] : memref<100000x128xf32, #tpu.memory_space<hbm>> -> memref<100000x128xf32, #tpu.memory_space<hbm>>
        tpu.enqueue_indirect_dma source(%dma_start3A_461 : memref<100000x128xf32, #tpu.memory_space<hbm>>) target(%dma_start3A_455 : memref<128x128xf32, #tpu.memory_space<vmem>>) offsets(%dma_start3A_458 : memref<128xi32, #tpu.memory_space<vmem>>) semaphore(%arg8 : memref<!tpu.dma_semaphore, #tpu.memory_space<semaphore_mem>>)
      } else {
      }
      %dma_wait3A_339 = arith.constant 3 : i32
      %dma_wait3A_340 = arith.constant 0 : i32
      %dma_wait3A_341 = arith.constant 0 : i32
      %dma_wait3A_342 = tpu.memref_slice %arg6[%dma_wait3A_339, %dma_wait3A_340, %dma_wait3A_341] : memref<6x128x128xf32, #tpu.memory_space<vmem>> -> memref<1x128x128xf32, #tpu.memory_space<vmem>>
      %dma_wait3A_343 = tpu.memref_squeeze %dma_wait3A_342 : memref<1x128x128xf32, #tpu.memory_space<vmem>> -> memref<128x128xf32, #tpu.memory_space<vmem>>
      %dma_wait3A_344 = arith.constant 0 : i32
      %dma_wait3A_345 = tpu.memref_slice %arg5[%add3A_331, %dma_wait3A_344] : memref<200x128xi32, #tpu.memory_space<vmem>> -> memref<1x128xi32, #tpu.memory_space<vmem>>
      %dma_wait3A_346 = tpu.memref_squeeze %dma_wait3A_345 : memref<1x128xi32, #tpu.memory_space<vmem>> -> memref<128xi32, #tpu.memory_space<vmem>>
      %dma_wait3A_347 = arith.constant 0 : i32
      %dma_wait3A_348 = arith.constant 0 : i32
      %dma_wait3A_349 = tpu.memref_slice %arg3[%dma_wait3A_347, %dma_wait3A_348] : memref<100000x128xf32, #tpu.memory_space<hbm>> -> memref<100000x128xf32, #tpu.memory_space<hbm>>
      tpu.wait_indirect_dma semaphore(%arg10 : memref<!tpu.dma_semaphore, #tpu.memory_space<semaphore_mem>>) src(%dma_wait3A_349 : memref<100000x128xf32, #tpu.memory_space<hbm>>) dst(%dma_wait3A_343 : memref<128x128xf32, #tpu.memory_space<vmem>>)
      %add3A_350 = arith.addi %mul3A_2, %add3A_331 : i32
      %mul3A_351 = arith.constant 128 : i32
      %mul3A_352 = arith.muli %add3A_350, %mul3A_351 : i32
      %dma_start3A_353 = arith.constant 3 : i32
      %dma_start3A_354 = arith.constant 0 : i32
      %dma_start3A_355 = arith.constant 0 : i32
      %dma_start3A_356 = tpu.memref_slice %arg6[%dma_start3A_353, %dma_start3A_354, %dma_start3A_355] : memref<6x128x128xf32, #tpu.memory_space<vmem>> -> memref<1x128x128xf32, #tpu.memory_space<vmem>>
      %dma_start3A_357 = tpu.memref_squeeze %dma_start3A_356 : memref<1x128x128xf32, #tpu.memory_space<vmem>> -> memref<128x128xf32, #tpu.memory_space<vmem>>
      %dma_start3A_358 = arith.constant 0 : i32
      %dma_start3A_359 = tpu.memref_slice %arg4[%mul3A_352, %dma_start3A_358] : memref<819200x128xf32, #tpu.memory_space<hbm>> -> memref<128x128xf32, #tpu.memory_space<hbm>>
      %dma_start3A_360 = arith.constant 0 : i32
      %dma_start3A_361 = tpu.memref_slice %arg4[%mul3A_352, %dma_start3A_360] : memref<819200x128xf32, #tpu.memory_space<hbm>> -> memref<128x128xf32, #tpu.memory_space<hbm>>
      %dma_start3A_362 = arith.constant 0 : i32
      %dma_start3A_363 = arith.constant 0 : i32
      %dma_start3A_364 = tpu.memref_slice %arg6[%dma_start3A_353, %dma_start3A_362, %dma_start3A_363] : memref<6x128x128xf32, #tpu.memory_space<vmem>> -> memref<1x128x128xf32, #tpu.memory_space<vmem>>
      %dma_start3A_365 = tpu.memref_squeeze %dma_start3A_364 : memref<1x128x128xf32, #tpu.memory_space<vmem>> -> memref<128x128xf32, #tpu.memory_space<vmem>>
      tpu.enqueue_dma source(%dma_start3A_365 : memref<128x128xf32, #tpu.memory_space<vmem>>) target(%dma_start3A_361 : memref<128x128xf32, #tpu.memory_space<hbm>>) target_semaphore(%arg16 : memref<!tpu.dma_semaphore, #tpu.memory_space<semaphore_mem>>)
      %mul3A_366 = arith.constant 6 : i32
      %mul3A_367 = arith.muli %scan3A_215, %mul3A_366 : i32
      %add3A_368 = arith.constant 4 : i32
      %add3A_369 = arith.addi %mul3A_367, %add3A_368 : i32
      %add3A_370 = arith.constant 4 : i32
      %add3A_371 = arith.addi %add3A_369, %add3A_370 : i32
      %lt3A_372 = arith.constant 200 : i32
      %lt3A_373 = arith.cmpi slt, %add3A_371, %lt3A_372 : i32
      %convert_element_type3A_374 = arith.extui %lt3A_373 : i1 to i32
      %cond3A_375 = arith.constant 0 : i32
      %cond3A_376 = arith.cmpi ne, %convert_element_type3A_374, %cond3A_375 : i32
      scf.if %cond3A_376 {
        %add3A_443 = arith.constant 4 : i32
        %add3A_444 = arith.addi %add3A_369, %add3A_443 : i32
        %ge3A = arith.constant 6 : i32
        %ge3A_445 = arith.cmpi sge, %add3A_444, %ge3A : i32
        %convert_element_type3A_446 = arith.extui %ge3A_445 : i1 to i32
        %cond3A_447 = arith.constant 0 : i32
        %cond3A_448 = arith.cmpi ne, %convert_element_type3A_446, %cond3A_447 : i32
        scf.if %cond3A_448 {
          %add3A_462 = arith.constant 4 : i32
          %add3A_463 = arith.addi %add3A_369, %add3A_462 : i32
          %sub3A = arith.constant 6 : i32
          %sub3A_464 = arith.subi %add3A_463, %sub3A : i32
          %add3A_465 = arith.addi %mul3A_2, %sub3A_464 : i32
          %mul3A_466 = arith.constant 128 : i32
          %mul3A_467 = arith.muli %add3A_465, %mul3A_466 : i32
          %dma_wait3A_468 = arith.constant 2 : i32
          %dma_wait3A_469 = arith.constant 0 : i32
          %dma_wait3A_470 = arith.constant 0 : i32
          %dma_wait3A_471 = tpu.memref_slice %arg6[%dma_wait3A_468, %dma_wait3A_469, %dma_wait3A_470] : memref<6x128x128xf32, #tpu.memory_space<vmem>> -> memref<1x128x128xf32, #tpu.memory_space<vmem>>
          %dma_wait3A_472 = tpu.memref_squeeze %dma_wait3A_471 : memref<1x128x128xf32, #tpu.memory_space<vmem>> -> memref<128x128xf32, #tpu.memory_space<vmem>>
          %dma_wait3A_473 = arith.constant 0 : i32
          %dma_wait3A_474 = tpu.memref_slice %arg4[%mul3A_467, %dma_wait3A_473] : memref<819200x128xf32, #tpu.memory_space<hbm>> -> memref<128x128xf32, #tpu.memory_space<hbm>>
          %dma_wait3A_475 = arith.constant 0 : i32
          %dma_wait3A_476 = tpu.memref_slice %arg4[%mul3A_467, %dma_wait3A_475] : memref<819200x128xf32, #tpu.memory_space<hbm>> -> memref<128x128xf32, #tpu.memory_space<hbm>>
          %dma_wait3A_477 = arith.constant 0 : i32
          %dma_wait3A_478 = arith.constant 0 : i32
          %dma_wait3A_479 = tpu.memref_slice %arg6[%dma_wait3A_468, %dma_wait3A_477, %dma_wait3A_478] : memref<6x128x128xf32, #tpu.memory_space<vmem>> -> memref<1x128x128xf32, #tpu.memory_space<vmem>>
          %dma_wait3A_480 = tpu.memref_squeeze %dma_wait3A_479 : memref<1x128x128xf32, #tpu.memory_space<vmem>> -> memref<128x128xf32, #tpu.memory_space<vmem>>
          tpu.wait_dma2 semaphore(%arg15 : memref<!tpu.dma_semaphore, #tpu.memory_space<semaphore_mem>>) src(%dma_wait3A_480 : memref<128x128xf32, #tpu.memory_space<vmem>>) dst(%dma_wait3A_476 : memref<128x128xf32, #tpu.memory_space<hbm>>)
        } else {
        }
        %add3A_449 = arith.constant 4 : i32
        %add3A_450 = arith.addi %add3A_369, %add3A_449 : i32
        %dma_start3A_451 = arith.constant 2 : i32
        %dma_start3A_452 = arith.constant 0 : i32
        %dma_start3A_453 = arith.constant 0 : i32
        %dma_start3A_454 = tpu.memref_slice %arg6[%dma_start3A_451, %dma_start3A_452, %dma_start3A_453] : memref<6x128x128xf32, #tpu.memory_space<vmem>> -> memref<1x128x128xf32, #tpu.memory_space<vmem>>
        %dma_start3A_455 = tpu.memref_squeeze %dma_start3A_454 : memref<1x128x128xf32, #tpu.memory_space<vmem>> -> memref<128x128xf32, #tpu.memory_space<vmem>>
        %dma_start3A_456 = arith.constant 0 : i32
        %dma_start3A_457 = tpu.memref_slice %arg5[%add3A_450, %dma_start3A_456] : memref<200x128xi32, #tpu.memory_space<vmem>> -> memref<1x128xi32, #tpu.memory_space<vmem>>
        %dma_start3A_458 = tpu.memref_squeeze %dma_start3A_457 : memref<1x128xi32, #tpu.memory_space<vmem>> -> memref<128xi32, #tpu.memory_space<vmem>>
        %dma_start3A_459 = arith.constant 0 : i32
        %dma_start3A_460 = arith.constant 0 : i32
        %dma_start3A_461 = tpu.memref_slice %arg3[%dma_start3A_459, %dma_start3A_460] : memref<100000x128xf32, #tpu.memory_space<hbm>> -> memref<100000x128xf32, #tpu.memory_space<hbm>>
        tpu.enqueue_indirect_dma source(%dma_start3A_461 : memref<100000x128xf32, #tpu.memory_space<hbm>>) target(%dma_start3A_455 : memref<128x128xf32, #tpu.memory_space<vmem>>) offsets(%dma_start3A_458 : memref<128xi32, #tpu.memory_space<vmem>>) semaphore(%arg9 : memref<!tpu.dma_semaphore, #tpu.memory_space<semaphore_mem>>)
      } else {
      }
      %dma_wait3A_377 = arith.constant 4 : i32
      %dma_wait3A_378 = arith.constant 0 : i32
      %dma_wait3A_379 = arith.constant 0 : i32
      %dma_wait3A_380 = tpu.memref_slice %arg6[%dma_wait3A_377, %dma_wait3A_378, %dma_wait3A_379] : memref<6x128x128xf32, #tpu.memory_space<vmem>> -> memref<1x128x128xf32, #tpu.memory_space<vmem>>
      %dma_wait3A_381 = tpu.memref_squeeze %dma_wait3A_380 : memref<1x128x128xf32, #tpu.memory_space<vmem>> -> memref<128x128xf32, #tpu.memory_space<vmem>>
      %dma_wait3A_382 = arith.constant 0 : i32
      %dma_wait3A_383 = tpu.memref_slice %arg5[%add3A_369, %dma_wait3A_382] : memref<200x128xi32, #tpu.memory_space<vmem>> -> memref<1x128xi32, #tpu.memory_space<vmem>>
      %dma_wait3A_384 = tpu.memref_squeeze %dma_wait3A_383 : memref<1x128xi32, #tpu.memory_space<vmem>> -> memref<128xi32, #tpu.memory_space<vmem>>
      %dma_wait3A_385 = arith.constant 0 : i32
      %dma_wait3A_386 = arith.constant 0 : i32
      %dma_wait3A_387 = tpu.memref_slice %arg3[%dma_wait3A_385, %dma_wait3A_386] : memref<100000x128xf32, #tpu.memory_space<hbm>> -> memref<100000x128xf32, #tpu.memory_space<hbm>>
      tpu.wait_indirect_dma semaphore(%arg11 : memref<!tpu.dma_semaphore, #tpu.memory_space<semaphore_mem>>) src(%dma_wait3A_387 : memref<100000x128xf32, #tpu.memory_space<hbm>>) dst(%dma_wait3A_381 : memref<128x128xf32, #tpu.memory_space<vmem>>)
      %add3A_388 = arith.addi %mul3A_2, %add3A_369 : i32
      %mul3A_389 = arith.constant 128 : i32
      %mul3A_390 = arith.muli %add3A_388, %mul3A_389 : i32
      %dma_start3A_391 = arith.constant 4 : i32
      %dma_start3A_392 = arith.constant 0 : i32
      %dma_start3A_393 = arith.constant 0 : i32
      %dma_start3A_394 = tpu.memref_slice %arg6[%dma_start3A_391, %dma_start3A_392, %dma_start3A_393] : memref<6x128x128xf32, #tpu.memory_space<vmem>> -> memref<1x128x128xf32, #tpu.memory_space<vmem>>
      %dma_start3A_395 = tpu.memref_squeeze %dma_start3A_394 : memref<1x128x128xf32, #tpu.memory_space<vmem>> -> memref<128x128xf32, #tpu.memory_space<vmem>>
      %dma_start3A_396 = arith.constant 0 : i32
      %dma_start3A_397 = tpu.memref_slice %arg4[%mul3A_390, %dma_start3A_396] : memref<819200x128xf32, #tpu.memory_space<hbm>> -> memref<128x128xf32, #tpu.memory_space<hbm>>
      %dma_start3A_398 = arith.constant 0 : i32
      %dma_start3A_399 = tpu.memref_slice %arg4[%mul3A_390, %dma_start3A_398] : memref<819200x128xf32, #tpu.memory_space<hbm>> -> memref<128x128xf32, #tpu.memory_space<hbm>>
      %dma_start3A_400 = arith.constant 0 : i32
      %dma_start3A_401 = arith.constant 0 : i32
      %dma_start3A_402 = tpu.memref_slice %arg6[%dma_start3A_391, %dma_start3A_400, %dma_start3A_401] : memref<6x128x128xf32, #tpu.memory_space<vmem>> -> memref<1x128x128xf32, #tpu.memory_space<vmem>>
      %dma_start3A_403 = tpu.memref_squeeze %dma_start3A_402 : memref<1x128x128xf32, #tpu.memory_space<vmem>> -> memref<128x128xf32, #tpu.memory_space<vmem>>
      tpu.enqueue_dma source(%dma_start3A_403 : memref<128x128xf32, #tpu.memory_space<vmem>>) target(%dma_start3A_399 : memref<128x128xf32, #tpu.memory_space<hbm>>) target_semaphore(%arg17 : memref<!tpu.dma_semaphore, #tpu.memory_space<semaphore_mem>>)
      %mul3A_404 = arith.constant 6 : i32
      %mul3A_405 = arith.muli %scan3A_215, %mul3A_404 : i32
      %add3A_406 = arith.constant 5 : i32
      %add3A_407 = arith.addi %mul3A_405, %add3A_406 : i32
      %add3A_408 = arith.constant 4 : i32
      %add3A_409 = arith.addi %add3A_407, %add3A_408 : i32
      %lt3A_410 = arith.constant 200 : i32
      %lt3A_411 = arith.cmpi slt, %add3A_409, %lt3A_410 : i32
      %convert_element_type3A_412 = arith.extui %lt3A_411 : i1 to i32
      %cond3A_413 = arith.constant 0 : i32
      %cond3A_414 = arith.cmpi ne, %convert_element_type3A_412, %cond3A_413 : i32
      scf.if %cond3A_414 {
        %add3A_443 = arith.constant 4 : i32
        %add3A_444 = arith.addi %add3A_407, %add3A_443 : i32
        %ge3A = arith.constant 6 : i32
        %ge3A_445 = arith.cmpi sge, %add3A_444, %ge3A : i32
        %convert_element_type3A_446 = arith.extui %ge3A_445 : i1 to i32
        %cond3A_447 = arith.constant 0 : i32
        %cond3A_448 = arith.cmpi ne, %convert_element_type3A_446, %cond3A_447 : i32
        scf.if %cond3A_448 {
          %add3A_462 = arith.constant 4 : i32
          %add3A_463 = arith.addi %add3A_407, %add3A_462 : i32
          %sub3A = arith.constant 6 : i32
          %sub3A_464 = arith.subi %add3A_463, %sub3A : i32
          %add3A_465 = arith.addi %mul3A_2, %sub3A_464 : i32
          %mul3A_466 = arith.constant 128 : i32
          %mul3A_467 = arith.muli %add3A_465, %mul3A_466 : i32
          %dma_wait3A_468 = arith.constant 3 : i32
          %dma_wait3A_469 = arith.constant 0 : i32
          %dma_wait3A_470 = arith.constant 0 : i32
          %dma_wait3A_471 = tpu.memref_slice %arg6[%dma_wait3A_468, %dma_wait3A_469, %dma_wait3A_470] : memref<6x128x128xf32, #tpu.memory_space<vmem>> -> memref<1x128x128xf32, #tpu.memory_space<vmem>>
          %dma_wait3A_472 = tpu.memref_squeeze %dma_wait3A_471 : memref<1x128x128xf32, #tpu.memory_space<vmem>> -> memref<128x128xf32, #tpu.memory_space<vmem>>
          %dma_wait3A_473 = arith.constant 0 : i32
          %dma_wait3A_474 = tpu.memref_slice %arg4[%mul3A_467, %dma_wait3A_473] : memref<819200x128xf32, #tpu.memory_space<hbm>> -> memref<128x128xf32, #tpu.memory_space<hbm>>
          %dma_wait3A_475 = arith.constant 0 : i32
          %dma_wait3A_476 = tpu.memref_slice %arg4[%mul3A_467, %dma_wait3A_475] : memref<819200x128xf32, #tpu.memory_space<hbm>> -> memref<128x128xf32, #tpu.memory_space<hbm>>
          %dma_wait3A_477 = arith.constant 0 : i32
          %dma_wait3A_478 = arith.constant 0 : i32
          %dma_wait3A_479 = tpu.memref_slice %arg6[%dma_wait3A_468, %dma_wait3A_477, %dma_wait3A_478] : memref<6x128x128xf32, #tpu.memory_space<vmem>> -> memref<1x128x128xf32, #tpu.memory_space<vmem>>
          %dma_wait3A_480 = tpu.memref_squeeze %dma_wait3A_479 : memref<1x128x128xf32, #tpu.memory_space<vmem>> -> memref<128x128xf32, #tpu.memory_space<vmem>>
          tpu.wait_dma2 semaphore(%arg16 : memref<!tpu.dma_semaphore, #tpu.memory_space<semaphore_mem>>) src(%dma_wait3A_480 : memref<128x128xf32, #tpu.memory_space<vmem>>) dst(%dma_wait3A_476 : memref<128x128xf32, #tpu.memory_space<hbm>>)
        } else {
        }
        %add3A_449 = arith.constant 4 : i32
        %add3A_450 = arith.addi %add3A_407, %add3A_449 : i32
        %dma_start3A_451 = arith.constant 3 : i32
        %dma_start3A_452 = arith.constant 0 : i32
        %dma_start3A_453 = arith.constant 0 : i32
        %dma_start3A_454 = tpu.memref_slice %arg6[%dma_start3A_451, %dma_start3A_452, %dma_start3A_453] : memref<6x128x128xf32, #tpu.memory_space<vmem>> -> memref<1x128x128xf32, #tpu.memory_space<vmem>>
        %dma_start3A_455 = tpu.memref_squeeze %dma_start3A_454 : memref<1x128x128xf32, #tpu.memory_space<vmem>> -> memref<128x128xf32, #tpu.memory_space<vmem>>
        %dma_start3A_456 = arith.constant 0 : i32
        %dma_start3A_457 = tpu.memref_slice %arg5[%add3A_450, %dma_start3A_456] : memref<200x128xi32, #tpu.memory_space<vmem>> -> memref<1x128xi32, #tpu.memory_space<vmem>>
        %dma_start3A_458 = tpu.memref_squeeze %dma_start3A_457 : memref<1x128xi32, #tpu.memory_space<vmem>> -> memref<128xi32, #tpu.memory_space<vmem>>
        %dma_start3A_459 = arith.constant 0 : i32
        %dma_start3A_460 = arith.constant 0 : i32
        %dma_start3A_461 = tpu.memref_slice %arg3[%dma_start3A_459, %dma_start3A_460] : memref<100000x128xf32, #tpu.memory_space<hbm>> -> memref<100000x128xf32, #tpu.memory_space<hbm>>
        tpu.enqueue_indirect_dma source(%dma_start3A_461 : memref<100000x128xf32, #tpu.memory_space<hbm>>) target(%dma_start3A_455 : memref<128x128xf32, #tpu.memory_space<vmem>>) offsets(%dma_start3A_458 : memref<128xi32, #tpu.memory_space<vmem>>) semaphore(%arg10 : memref<!tpu.dma_semaphore, #tpu.memory_space<semaphore_mem>>)
      } else {
      }
      %dma_wait3A_415 = arith.constant 5 : i32
      %dma_wait3A_416 = arith.constant 0 : i32
      %dma_wait3A_417 = arith.constant 0 : i32
      %dma_wait3A_418 = tpu.memref_slice %arg6[%dma_wait3A_415, %dma_wait3A_416, %dma_wait3A_417] : memref<6x128x128xf32, #tpu.memory_space<vmem>> -> memref<1x128x128xf32, #tpu.memory_space<vmem>>
      %dma_wait3A_419 = tpu.memref_squeeze %dma_wait3A_418 : memref<1x128x128xf32, #tpu.memory_space<vmem>> -> memref<128x128xf32, #tpu.memory_space<vmem>>
      %dma_wait3A_420 = arith.constant 0 : i32
      %dma_wait3A_421 = tpu.memref_slice %arg5[%add3A_407, %dma_wait3A_420] : memref<200x128xi32, #tpu.memory_space<vmem>> -> memref<1x128xi32, #tpu.memory_space<vmem>>
      %dma_wait3A_422 = tpu.memref_squeeze %dma_wait3A_421 : memref<1x128xi32, #tpu.memory_space<vmem>> -> memref<128xi32, #tpu.memory_space<vmem>>
      %dma_wait3A_423 = arith.constant 0 : i32
      %dma_wait3A_424 = arith.constant 0 : i32
      %dma_wait3A_425 = tpu.memref_slice %arg3[%dma_wait3A_423, %dma_wait3A_424] : memref<100000x128xf32, #tpu.memory_space<hbm>> -> memref<100000x128xf32, #tpu.memory_space<hbm>>
      tpu.wait_indirect_dma semaphore(%arg12 : memref<!tpu.dma_semaphore, #tpu.memory_space<semaphore_mem>>) src(%dma_wait3A_425 : memref<100000x128xf32, #tpu.memory_space<hbm>>) dst(%dma_wait3A_419 : memref<128x128xf32, #tpu.memory_space<vmem>>)
      %add3A_426 = arith.addi %mul3A_2, %add3A_407 : i32
      %mul3A_427 = arith.constant 128 : i32
      %mul3A_428 = arith.muli %add3A_426, %mul3A_427 : i32
      %dma_start3A_429 = arith.constant 5 : i32
      %dma_start3A_430 = arith.constant 0 : i32
      %dma_start3A_431 = arith.constant 0 : i32
      %dma_start3A_432 = tpu.memref_slice %arg6[%dma_start3A_429, %dma_start3A_430, %dma_start3A_431] : memref<6x128x128xf32, #tpu.memory_space<vmem>> -> memref<1x128x128xf32, #tpu.memory_space<vmem>>
      %dma_start3A_433 = tpu.memref_squeeze %dma_start3A_432 : memref<1x128x128xf32, #tpu.memory_space<vmem>> -> memref<128x128xf32, #tpu.memory_space<vmem>>
      %dma_start3A_434 = arith.constant 0 : i32
      %dma_start3A_435 = tpu.memref_slice %arg4[%mul3A_428, %dma_start3A_434] : memref<819200x128xf32, #tpu.memory_space<hbm>> -> memref<128x128xf32, #tpu.memory_space<hbm>>
      %dma_start3A_436 = arith.constant 0 : i32
      %dma_start3A_437 = tpu.memref_slice %arg4[%mul3A_428, %dma_start3A_436] : memref<819200x128xf32, #tpu.memory_space<hbm>> -> memref<128x128xf32, #tpu.memory_space<hbm>>
      %dma_start3A_438 = arith.constant 0 : i32
      %dma_start3A_439 = arith.constant 0 : i32
      %dma_start3A_440 = tpu.memref_slice %arg6[%dma_start3A_429, %dma_start3A_438, %dma_start3A_439] : memref<6x128x128xf32, #tpu.memory_space<vmem>> -> memref<1x128x128xf32, #tpu.memory_space<vmem>>
      %dma_start3A_441 = tpu.memref_squeeze %dma_start3A_440 : memref<1x128x128xf32, #tpu.memory_space<vmem>> -> memref<128x128xf32, #tpu.memory_space<vmem>>
      tpu.enqueue_dma source(%dma_start3A_441 : memref<128x128xf32, #tpu.memory_space<vmem>>) target(%dma_start3A_437 : memref<128x128xf32, #tpu.memory_space<hbm>>) target_semaphore(%arg18 : memref<!tpu.dma_semaphore, #tpu.memory_space<semaphore_mem>>)
      %scan3A_442 = arith.constant 0 : i32
      scf.yield %scan3A_442 : i32
    }
    %scan3A_55 = arith.constant 33 : i32
    %dma_wait3A = arith.constant 198 : i32
    %dma_wait3A_56 = arith.constant 0 : i32
    %dma_wait3A_57 = arith.constant 0 : i32
    %dma_wait3A_58 = arith.constant 0 : i32
    %dma_wait3A_59 = tpu.memref_slice %arg6[%dma_wait3A_56, %dma_wait3A_57, %dma_wait3A_58] : memref<6x128x128xf32, #tpu.memory_space<vmem>> -> memref<1x128x128xf32, #tpu.memory_space<vmem>>
    %dma_wait3A_60 = tpu.memref_squeeze %dma_wait3A_59 : memref<1x128x128xf32, #tpu.memory_space<vmem>> -> memref<128x128xf32, #tpu.memory_space<vmem>>
    %dma_wait3A_61 = arith.constant 0 : i32
    %dma_wait3A_62 = tpu.memref_slice %arg5[%dma_wait3A, %dma_wait3A_61] : memref<200x128xi32, #tpu.memory_space<vmem>> -> memref<1x128xi32, #tpu.memory_space<vmem>>
    %dma_wait3A_63 = tpu.memref_squeeze %dma_wait3A_62 : memref<1x128xi32, #tpu.memory_space<vmem>> -> memref<128xi32, #tpu.memory_space<vmem>>
    %dma_wait3A_64 = arith.constant 0 : i32
    %dma_wait3A_65 = arith.constant 0 : i32
    %dma_wait3A_66 = tpu.memref_slice %arg3[%dma_wait3A_64, %dma_wait3A_65] : memref<100000x128xf32, #tpu.memory_space<hbm>> -> memref<100000x128xf32, #tpu.memory_space<hbm>>
    tpu.wait_indirect_dma semaphore(%arg7 : memref<!tpu.dma_semaphore, #tpu.memory_space<semaphore_mem>>) src(%dma_wait3A_66 : memref<100000x128xf32, #tpu.memory_space<hbm>>) dst(%dma_wait3A_60 : memref<128x128xf32, #tpu.memory_space<vmem>>)
    %add3A_67 = arith.constant 198 : i32
    %add3A_68 = arith.addi %mul3A_2, %add3A_67 : i32
    %mul3A_69 = arith.constant 128 : i32
    %mul3A_70 = arith.muli %add3A_68, %mul3A_69 : i32
    %dma_start3A_71 = arith.constant 0 : i32
    %dma_start3A_72 = arith.constant 0 : i32
    %dma_start3A_73 = arith.constant 0 : i32
    %dma_start3A_74 = tpu.memref_slice %arg6[%dma_start3A_71, %dma_start3A_72, %dma_start3A_73] : memref<6x128x128xf32, #tpu.memory_space<vmem>> -> memref<1x128x128xf32, #tpu.memory_space<vmem>>
    %dma_start3A_75 = tpu.memref_squeeze %dma_start3A_74 : memref<1x128x128xf32, #tpu.memory_space<vmem>> -> memref<128x128xf32, #tpu.memory_space<vmem>>
    %dma_start3A_76 = arith.constant 0 : i32
    %dma_start3A_77 = tpu.memref_slice %arg4[%mul3A_70, %dma_start3A_76] : memref<819200x128xf32, #tpu.memory_space<hbm>> -> memref<128x128xf32, #tpu.memory_space<hbm>>
    %dma_start3A_78 = arith.constant 0 : i32
    %dma_start3A_79 = tpu.memref_slice %arg4[%mul3A_70, %dma_start3A_78] : memref<819200x128xf32, #tpu.memory_space<hbm>> -> memref<128x128xf32, #tpu.memory_space<hbm>>
    %dma_start3A_80 = arith.constant 0 : i32
    %dma_start3A_81 = arith.constant 0 : i32
    %dma_start3A_82 = tpu.memref_slice %arg6[%dma_start3A_71, %dma_start3A_80, %dma_start3A_81] : memref<6x128x128xf32, #tpu.memory_space<vmem>> -> memref<1x128x128xf32, #tpu.memory_space<vmem>>
    %dma_start3A_83 = tpu.memref_squeeze %dma_start3A_82 : memref<1x128x128xf32, #tpu.memory_space<vmem>> -> memref<128x128xf32, #tpu.memory_space<vmem>>
    tpu.enqueue_dma source(%dma_start3A_83 : memref<128x128xf32, #tpu.memory_space<vmem>>) target(%dma_start3A_79 : memref<128x128xf32, #tpu.memory_space<hbm>>) target_semaphore(%arg13 : memref<!tpu.dma_semaphore, #tpu.memory_space<semaphore_mem>>)
    %dma_wait3A_84 = arith.constant 199 : i32
    %dma_wait3A_85 = arith.constant 1 : i32
    %dma_wait3A_86 = arith.constant 0 : i32
    %dma_wait3A_87 = arith.constant 0 : i32
    %dma_wait3A_88 = tpu.memref_slice %arg6[%dma_wait3A_85, %dma_wait3A_86, %dma_wait3A_87] : memref<6x128x128xf32, #tpu.memory_space<vmem>> -> memref<1x128x128xf32, #tpu.memory_space<vmem>>
    %dma_wait3A_89 = tpu.memref_squeeze %dma_wait3A_88 : memref<1x128x128xf32, #tpu.memory_space<vmem>> -> memref<128x128xf32, #tpu.memory_space<vmem>>
    %dma_wait3A_90 = arith.constant 0 : i32
    %dma_wait3A_91 = tpu.memref_slice %arg5[%dma_wait3A_84, %dma_wait3A_90] : memref<200x128xi32, #tpu.memory_space<vmem>> -> memref<1x128xi32, #tpu.memory_space<vmem>>
    %dma_wait3A_92 = tpu.memref_squeeze %dma_wait3A_91 : memref<1x128xi32, #tpu.memory_space<vmem>> -> memref<128xi32, #tpu.memory_space<vmem>>
    %dma_wait3A_93 = arith.constant 0 : i32
    %dma_wait3A_94 = arith.constant 0 : i32
    %dma_wait3A_95 = tpu.memref_slice %arg3[%dma_wait3A_93, %dma_wait3A_94] : memref<100000x128xf32, #tpu.memory_space<hbm>> -> memref<100000x128xf32, #tpu.memory_space<hbm>>
    tpu.wait_indirect_dma semaphore(%arg8 : memref<!tpu.dma_semaphore, #tpu.memory_space<semaphore_mem>>) src(%dma_wait3A_95 : memref<100000x128xf32, #tpu.memory_space<hbm>>) dst(%dma_wait3A_89 : memref<128x128xf32, #tpu.memory_space<vmem>>)
    %add3A_96 = arith.constant 199 : i32
    %add3A_97 = arith.addi %mul3A_2, %add3A_96 : i32
    %mul3A_98 = arith.constant 128 : i32
    %mul3A_99 = arith.muli %add3A_97, %mul3A_98 : i32
    %dma_start3A_100 = arith.constant 1 : i32
    %dma_start3A_101 = arith.constant 0 : i32
    %dma_start3A_102 = arith.constant 0 : i32
    %dma_start3A_103 = tpu.memref_slice %arg6[%dma_start3A_100, %dma_start3A_101, %dma_start3A_102] : memref<6x128x128xf32, #tpu.memory_space<vmem>> -> memref<1x128x128xf32, #tpu.memory_space<vmem>>
    %dma_start3A_104 = tpu.memref_squeeze %dma_start3A_103 : memref<1x128x128xf32, #tpu.memory_space<vmem>> -> memref<128x128xf32, #tpu.memory_space<vmem>>
    %dma_start3A_105 = arith.constant 0 : i32
    %dma_start3A_106 = tpu.memref_slice %arg4[%mul3A_99, %dma_start3A_105] : memref<819200x128xf32, #tpu.memory_space<hbm>> -> memref<128x128xf32, #tpu.memory_space<hbm>>
    %dma_start3A_107 = arith.constant 0 : i32
    %dma_start3A_108 = tpu.memref_slice %arg4[%mul3A_99, %dma_start3A_107] : memref<819200x128xf32, #tpu.memory_space<hbm>> -> memref<128x128xf32, #tpu.memory_space<hbm>>
    %dma_start3A_109 = arith.constant 0 : i32
    %dma_start3A_110 = arith.constant 0 : i32
    %dma_start3A_111 = tpu.memref_slice %arg6[%dma_start3A_100, %dma_start3A_109, %dma_start3A_110] : memref<6x128x128xf32, #tpu.memory_space<vmem>> -> memref<1x128x128xf32, #tpu.memory_space<vmem>>
    %dma_start3A_112 = tpu.memref_squeeze %dma_start3A_111 : memref<1x128x128xf32, #tpu.memory_space<vmem>> -> memref<128x128xf32, #tpu.memory_space<vmem>>
    tpu.enqueue_dma source(%dma_start3A_112 : memref<128x128xf32, #tpu.memory_space<vmem>>) target(%dma_start3A_108 : memref<128x128xf32, #tpu.memory_space<hbm>>) target_semaphore(%arg14 : memref<!tpu.dma_semaphore, #tpu.memory_space<semaphore_mem>>)
    %add3A_113 = arith.constant 194 : i32
    %add3A_114 = arith.addi %mul3A_2, %add3A_113 : i32
    %mul3A_115 = arith.constant 128 : i32
    %mul3A_116 = arith.muli %add3A_114, %mul3A_115 : i32
    %dma_wait3A_117 = arith.constant 2 : i32
    %dma_wait3A_118 = arith.constant 0 : i32
    %dma_wait3A_119 = arith.constant 0 : i32
    %dma_wait3A_120 = tpu.memref_slice %arg6[%dma_wait3A_117, %dma_wait3A_118, %dma_wait3A_119] : memref<6x128x128xf32, #tpu.memory_space<vmem>> -> memref<1x128x128xf32, #tpu.memory_space<vmem>>
    %dma_wait3A_121 = tpu.memref_squeeze %dma_wait3A_120 : memref<1x128x128xf32, #tpu.memory_space<vmem>> -> memref<128x128xf32, #tpu.memory_space<vmem>>
    %dma_wait3A_122 = arith.constant 0 : i32
    %dma_wait3A_123 = tpu.memref_slice %arg4[%mul3A_116, %dma_wait3A_122] : memref<819200x128xf32, #tpu.memory_space<hbm>> -> memref<128x128xf32, #tpu.memory_space<hbm>>
    %dma_wait3A_124 = arith.constant 0 : i32
    %dma_wait3A_125 = tpu.memref_slice %arg4[%mul3A_116, %dma_wait3A_124] : memref<819200x128xf32, #tpu.memory_space<hbm>> -> memref<128x128xf32, #tpu.memory_space<hbm>>
    %dma_wait3A_126 = arith.constant 0 : i32
    %dma_wait3A_127 = arith.constant 0 : i32
    %dma_wait3A_128 = tpu.memref_slice %arg6[%dma_wait3A_117, %dma_wait3A_126, %dma_wait3A_127] : memref<6x128x128xf32, #tpu.memory_space<vmem>> -> memref<1x128x128xf32, #tpu.memory_space<vmem>>
    %dma_wait3A_129 = tpu.memref_squeeze %dma_wait3A_128 : memref<1x128x128xf32, #tpu.memory_space<vmem>> -> memref<128x128xf32, #tpu.memory_space<vmem>>
    tpu.wait_dma2 semaphore(%arg15 : memref<!tpu.dma_semaphore, #tpu.memory_space<semaphore_mem>>) src(%dma_wait3A_129 : memref<128x128xf32, #tpu.memory_space<vmem>>) dst(%dma_wait3A_125 : memref<128x128xf32, #tpu.memory_space<hbm>>)
    %add3A_130 = arith.constant 195 : i32
    %add3A_131 = arith.addi %mul3A_2, %add3A_130 : i32
    %mul3A_132 = arith.constant 128 : i32
    %mul3A_133 = arith.muli %add3A_131, %mul3A_132 : i32
    %dma_wait3A_134 = arith.constant 3 : i32
    %dma_wait3A_135 = arith.constant 0 : i32
    %dma_wait3A_136 = arith.constant 0 : i32
    %dma_wait3A_137 = tpu.memref_slice %arg6[%dma_wait3A_134, %dma_wait3A_135, %dma_wait3A_136] : memref<6x128x128xf32, #tpu.memory_space<vmem>> -> memref<1x128x128xf32, #tpu.memory_space<vmem>>
    %dma_wait3A_138 = tpu.memref_squeeze %dma_wait3A_137 : memref<1x128x128xf32, #tpu.memory_space<vmem>> -> memref<128x128xf32, #tpu.memory_space<vmem>>
    %dma_wait3A_139 = arith.constant 0 : i32
    %dma_wait3A_140 = tpu.memref_slice %arg4[%mul3A_133, %dma_wait3A_139] : memref<819200x128xf32, #tpu.memory_space<hbm>> -> memref<128x128xf32, #tpu.memory_space<hbm>>
    %dma_wait3A_141 = arith.constant 0 : i32
    %dma_wait3A_142 = tpu.memref_slice %arg4[%mul3A_133, %dma_wait3A_141] : memref<819200x128xf32, #tpu.memory_space<hbm>> -> memref<128x128xf32, #tpu.memory_space<hbm>>
    %dma_wait3A_143 = arith.constant 0 : i32
    %dma_wait3A_144 = arith.constant 0 : i32
    %dma_wait3A_145 = tpu.memref_slice %arg6[%dma_wait3A_134, %dma_wait3A_143, %dma_wait3A_144] : memref<6x128x128xf32, #tpu.memory_space<vmem>> -> memref<1x128x128xf32, #tpu.memory_space<vmem>>
    %dma_wait3A_146 = tpu.memref_squeeze %dma_wait3A_145 : memref<1x128x128xf32, #tpu.memory_space<vmem>> -> memref<128x128xf32, #tpu.memory_space<vmem>>
    tpu.wait_dma2 semaphore(%arg16 : memref<!tpu.dma_semaphore, #tpu.memory_space<semaphore_mem>>) src(%dma_wait3A_146 : memref<128x128xf32, #tpu.memory_space<vmem>>) dst(%dma_wait3A_142 : memref<128x128xf32, #tpu.memory_space<hbm>>)
    %add3A_147 = arith.constant 196 : i32
    %add3A_148 = arith.addi %mul3A_2, %add3A_147 : i32
    %mul3A_149 = arith.constant 128 : i32
    %mul3A_150 = arith.muli %add3A_148, %mul3A_149 : i32
    %dma_wait3A_151 = arith.constant 4 : i32
    %dma_wait3A_152 = arith.constant 0 : i32
    %dma_wait3A_153 = arith.constant 0 : i32
    %dma_wait3A_154 = tpu.memref_slice %arg6[%dma_wait3A_151, %dma_wait3A_152, %dma_wait3A_153] : memref<6x128x128xf32, #tpu.memory_space<vmem>> -> memref<1x128x128xf32, #tpu.memory_space<vmem>>
    %dma_wait3A_155 = tpu.memref_squeeze %dma_wait3A_154 : memref<1x128x128xf32, #tpu.memory_space<vmem>> -> memref<128x128xf32, #tpu.memory_space<vmem>>
    %dma_wait3A_156 = arith.constant 0 : i32
    %dma_wait3A_157 = tpu.memref_slice %arg4[%mul3A_150, %dma_wait3A_156] : memref<819200x128xf32, #tpu.memory_space<hbm>> -> memref<128x128xf32, #tpu.memory_space<hbm>>
    %dma_wait3A_158 = arith.constant 0 : i32
    %dma_wait3A_159 = tpu.memref_slice %arg4[%mul3A_150, %dma_wait3A_158] : memref<819200x128xf32, #tpu.memory_space<hbm>> -> memref<128x128xf32, #tpu.memory_space<hbm>>
    %dma_wait3A_160 = arith.constant 0 : i32
    %dma_wait3A_161 = arith.constant 0 : i32
    %dma_wait3A_162 = tpu.memref_slice %arg6[%dma_wait3A_151, %dma_wait3A_160, %dma_wait3A_161] : memref<6x128x128xf32, #tpu.memory_space<vmem>> -> memref<1x128x128xf32, #tpu.memory_space<vmem>>
    %dma_wait3A_163 = tpu.memref_squeeze %dma_wait3A_162 : memref<1x128x128xf32, #tpu.memory_space<vmem>> -> memref<128x128xf32, #tpu.memory_space<vmem>>
    tpu.wait_dma2 semaphore(%arg17 : memref<!tpu.dma_semaphore, #tpu.memory_space<semaphore_mem>>) src(%dma_wait3A_163 : memref<128x128xf32, #tpu.memory_space<vmem>>) dst(%dma_wait3A_159 : memref<128x128xf32, #tpu.memory_space<hbm>>)
    %add3A_164 = arith.constant 197 : i32
    %add3A_165 = arith.addi %mul3A_2, %add3A_164 : i32
    %mul3A_166 = arith.constant 128 : i32
    %mul3A_167 = arith.muli %add3A_165, %mul3A_166 : i32
    %dma_wait3A_168 = arith.constant 5 : i32
    %dma_wait3A_169 = arith.constant 0 : i32
    %dma_wait3A_170 = arith.constant 0 : i32
    %dma_wait3A_171 = tpu.memref_slice %arg6[%dma_wait3A_168, %dma_wait3A_169, %dma_wait3A_170] : memref<6x128x128xf32, #tpu.memory_space<vmem>> -> memref<1x128x128xf32, #tpu.memory_space<vmem>>
    %dma_wait3A_172 = tpu.memref_squeeze %dma_wait3A_171 : memref<1x128x128xf32, #tpu.memory_space<vmem>> -> memref<128x128xf32, #tpu.memory_space<vmem>>
    %dma_wait3A_173 = arith.constant 0 : i32
    %dma_wait3A_174 = tpu.memref_slice %arg4[%mul3A_167, %dma_wait3A_173] : memref<819200x128xf32, #tpu.memory_space<hbm>> -> memref<128x128xf32, #tpu.memory_space<hbm>>
    %dma_wait3A_175 = arith.constant 0 : i32
    %dma_wait3A_176 = tpu.memref_slice %arg4[%mul3A_167, %dma_wait3A_175] : memref<819200x128xf32, #tpu.memory_space<hbm>> -> memref<128x128xf32, #tpu.memory_space<hbm>>
    %dma_wait3A_177 = arith.constant 0 : i32
    %dma_wait3A_178 = arith.constant 0 : i32
    %dma_wait3A_179 = tpu.memref_slice %arg6[%dma_wait3A_168, %dma_wait3A_177, %dma_wait3A_178] : memref<6x128x128xf32, #tpu.memory_space<vmem>> -> memref<1x128x128xf32, #tpu.memory_space<vmem>>
    %dma_wait3A_180 = tpu.memref_squeeze %dma_wait3A_179 : memref<1x128x128xf32, #tpu.memory_space<vmem>> -> memref<128x128xf32, #tpu.memory_space<vmem>>
    tpu.wait_dma2 semaphore(%arg18 : memref<!tpu.dma_semaphore, #tpu.memory_space<semaphore_mem>>) src(%dma_wait3A_180 : memref<128x128xf32, #tpu.memory_space<vmem>>) dst(%dma_wait3A_176 : memref<128x128xf32, #tpu.memory_space<hbm>>)
    %add3A_181 = arith.constant 198 : i32
    %add3A_182 = arith.addi %mul3A_2, %add3A_181 : i32
    %mul3A_183 = arith.constant 128 : i32
    %mul3A_184 = arith.muli %add3A_182, %mul3A_183 : i32
    %dma_wait3A_185 = arith.constant 0 : i32
    %dma_wait3A_186 = arith.constant 0 : i32
    %dma_wait3A_187 = arith.constant 0 : i32
    %dma_wait3A_188 = tpu.memref_slice %arg6[%dma_wait3A_185, %dma_wait3A_186, %dma_wait3A_187] : memref<6x128x128xf32, #tpu.memory_space<vmem>> -> memref<1x128x128xf32, #tpu.memory_space<vmem>>
    %dma_wait3A_189 = tpu.memref_squeeze %dma_wait3A_188 : memref<1x128x128xf32, #tpu.memory_space<vmem>> -> memref<128x128xf32, #tpu.memory_space<vmem>>
    %dma_wait3A_190 = arith.constant 0 : i32
    %dma_wait3A_191 = tpu.memref_slice %arg4[%mul3A_184, %dma_wait3A_190] : memref<819200x128xf32, #tpu.memory_space<hbm>> -> memref<128x128xf32, #tpu.memory_space<hbm>>
    %dma_wait3A_192 = arith.constant 0 : i32
    %dma_wait3A_193 = tpu.memref_slice %arg4[%mul3A_184, %dma_wait3A_192] : memref<819200x128xf32, #tpu.memory_space<hbm>> -> memref<128x128xf32, #tpu.memory_space<hbm>>
    %dma_wait3A_194 = arith.constant 0 : i32
    %dma_wait3A_195 = arith.constant 0 : i32
    %dma_wait3A_196 = tpu.memref_slice %arg6[%dma_wait3A_185, %dma_wait3A_194, %dma_wait3A_195] : memref<6x128x128xf32, #tpu.memory_space<vmem>> -> memref<1x128x128xf32, #tpu.memory_space<vmem>>
    %dma_wait3A_197 = tpu.memref_squeeze %dma_wait3A_196 : memref<1x128x128xf32, #tpu.memory_space<vmem>> -> memref<128x128xf32, #tpu.memory_space<vmem>>
    tpu.wait_dma2 semaphore(%arg13 : memref<!tpu.dma_semaphore, #tpu.memory_space<semaphore_mem>>) src(%dma_wait3A_197 : memref<128x128xf32, #tpu.memory_space<vmem>>) dst(%dma_wait3A_193 : memref<128x128xf32, #tpu.memory_space<hbm>>)
    %add3A_198 = arith.constant 199 : i32
    %add3A_199 = arith.addi %mul3A_2, %add3A_198 : i32
    %mul3A_200 = arith.constant 128 : i32
    %mul3A_201 = arith.muli %add3A_199, %mul3A_200 : i32
    %dma_wait3A_202 = arith.constant 1 : i32
    %dma_wait3A_203 = arith.constant 0 : i32
    %dma_wait3A_204 = arith.constant 0 : i32
    %dma_wait3A_205 = tpu.memref_slice %arg6[%dma_wait3A_202, %dma_wait3A_203, %dma_wait3A_204] : memref<6x128x128xf32, #tpu.memory_space<vmem>> -> memref<1x128x128xf32, #tpu.memory_space<vmem>>
    %dma_wait3A_206 = tpu.memref_squeeze %dma_wait3A_205 : memref<1x128x128xf32, #tpu.memory_space<vmem>> -> memref<128x128xf32, #tpu.memory_space<vmem>>
    %dma_wait3A_207 = arith.constant 0 : i32
    %dma_wait3A_208 = tpu.memref_slice %arg4[%mul3A_201, %dma_wait3A_207] : memref<819200x128xf32, #tpu.memory_space<hbm>> -> memref<128x128xf32, #tpu.memory_space<hbm>>
    %dma_wait3A_209 = arith.constant 0 : i32
    %dma_wait3A_210 = tpu.memref_slice %arg4[%mul3A_201, %dma_wait3A_209] : memref<819200x128xf32, #tpu.memory_space<hbm>> -> memref<128x128xf32, #tpu.memory_space<hbm>>
    %dma_wait3A_211 = arith.constant 0 : i32
    %dma_wait3A_212 = arith.constant 0 : i32
    %dma_wait3A_213 = tpu.memref_slice %arg6[%dma_wait3A_202, %dma_wait3A_211, %dma_wait3A_212] : memref<6x128x128xf32, #tpu.memory_space<vmem>> -> memref<1x128x128xf32, #tpu.memory_space<vmem>>
    %dma_wait3A_214 = tpu.memref_squeeze %dma_wait3A_213 : memref<1x128x128xf32, #tpu.memory_space<vmem>> -> memref<128x128xf32, #tpu.memory_space<vmem>>
    tpu.wait_dma2 semaphore(%arg14 : memref<!tpu.dma_semaphore, #tpu.memory_space<semaphore_mem>>) src(%dma_wait3A_214 : memref<128x128xf32, #tpu.memory_space<vmem>>) dst(%dma_wait3A_210 : memref<128x128xf32, #tpu.memory_space<hbm>>)
    return
  }
}

</mosaic_0001>

<sc_bundles>
// kernel: _emb_lookup.3.cloned.1.call-start
scs
__scs_entry_jumppad:
0x0: {  	(pc) =	sbr.rel $0x88, $3  }
0x1: {  	(tag) =	ssettag $0x0;
	lr =	simm.s32 $0x1  }
0x2: {  	[smem:$0x3F9F] =	sst lr;
	_ =	strace $0xD0000000  }
0x3: {  	_ = 	snop  }
0x4: {  	_ = 	snop  }
0x5: {  	_ = 	snop  }
0x6: {  	_ = 	snop  }
0x7: {  	_ = 	snop  }
__scs_overlays_trampoline_lowered:
0x8: {  	[smem:$0x3FAE] =	sst s0  }
0x9: {  	[smem:$0x3FAF] =	sst s1  }
0xa: {  	[smem:$0x3FB0] =	sst s2  }
0xb: {  	[smem:$0x3FB1] =	sst s3  }
0xc: {  	[smem:$0x3FB2] =	sst s4  }
0xd: {  	[smem:$0x3FB3] =	sst s5  }
0xe: {  	[smem:$0x3FB4] =	sst s6  }
0xf: {  	[smem:$0x3FB5] =	sst s7  }
0x10: {  	[smem:$0x3FB6] =	sst s8  }
0x11: {  	[smem:$0x3FB7] =	sst s9;
	s0 =	simm.s32 @!p0 $0x0  }
0x12: {  	s1 =	sld [smem:$0x3F9D];
	s0 =	simm.s32 @p0 $0x1  }
0x13: {  	[smem:$0x3FB8] =	sst s0;
	s0 =	simm.s32 @!p1 $0x0  }
0x14: {  	s2 =	sld [smem:$0x3F9C];
	s0 =	simm.s32 @p1 $0x1  }
0x15: {  	[smem:$0x3FB9] =	sst s0;
	s0 =	simm.s32 @!p2 $0x0  }
0x16: {  	s3 =	sld [smem:$0x3FDB];
	s0 =	simm.s32 @p2 $0x1  }
0x17: {  	s4 =	simm.s32 $0x1BF5;
	[smem:$0x3FBB] =	sst s0  }
0x18: {  	s0 =	sld [smem:$0x3F9E];
	_ =	swait.ge [sflag:s4], $0x0  }
0x19: {  	s7 =	sld [smem:$0x3F9F]  }
0x1a: {  	s8 =	sadd.s32 $0xFFFFE003, lr  }
0x1b: {  	s9 =	sadd.s32 $0xFFFFFEF7, lr;
	s5 =	simm.s32 $0xFFFFFFFF;
	p2 =	slt.u32 s8, $0xFFFFF086  }
0x1c: {  	p1 =	slt.u32 s9, $0xF7A;
	s5 =	simm.s32 @!p2 $0x0  }
0x1d: {  	s5 =	simm.s32 @p1 $0x1;
	p0 =	seq.s32 s7, s2  }
0x1e: {  	s7 =	smul.u32 @!p0 $0xF7A, s2;
	p2 =	seq.s32 @!p0 s5, $0x0  }
0x1f: {  	s9 =	smul.u32 $0xF7A, s1;
	s8 =	simm.s32 @!p0 $0x1BF5;
	p2 =	por !p2, p0  }
0x20: {  	[sflag:s8] =	ssyncset.s32 @!p0 $0xFFFFF086;
	s6 =	sadd.s32 @!p0 s3, s7;
	s7 =	simm.s32 @!p0 $0x108  }
0x21: {  	s3 =	sadd.s32 s3, s9;
	s6 =	sadd.s32 @!p0 $0x88, s6;
	s7 =	simm.s32 @p2 $0x1082  }
0x22: {  	[simem:s7], [sflag:s8] =	dma.local @!p0 [hbm:s6], $0xF7A  }
0x23: {  	s9 =	sor.u32 $0xD0000000, s2;
	s6 =	simm.s32 $0x108;
	_ =	swait.ge @!p0 [sflag:s8], $0x0  }
0x24: {  	s3 =	sadd.s32 $0x88, s3;
	s6 =	simm.s32 @!p1 $0x1082;
	[sflag:s4] =	ssyncset.s32 $0xFFFFF086  }
0x25: {  	[simem:s6], [sflag:s4] =	dma.local [hbm:s3], $0xF7A  }
0x26: {  	[smem:$0x3F9F] =	sst s1;
	(tag) =	ssettag s2;
	_ =	strace s9  }
0x27: {  	s1 =	sld [smem:$0x3FAF]  }
0x28: {  	s2 =	sld [smem:$0x3FB0]  }
0x29: {  	s4 =	sld [smem:$0x3FB2]  }
0x2a: {  	p0 =	seq.s32 s5, $0x0;
	s5 =	sld [smem:$0x3FB3]  }
0x2b: {  	s6 =	sld [smem:$0x3FB4]  }
0x2c: {  	s7 =	sld [smem:$0x3FB5]  }
0x2d: {  	s3 =	simm.s32 $0x108;
	s8 =	sld [smem:$0x3FB6]  }
0x2e: {  	s3 =	simm.s32 @!p0 $0x1082;
	s9 =	sld [smem:$0x3FB7]  }
0x2f: {  	lr =	sadd.s32 s0, s3;
	s0 =	sld [smem:$0x3FAE]  }
0x30: {  	s3 =	sld [smem:$0x3FB1]  }
0x31: {  	[smem:$0x3FBA] =	sst s10  }
0x32: {  	s10 =	sld [smem:$0x3FB8];
	_ =	sdelay $0x3  }
0x33: {  	p0 =	seq.s32 s10, $0x1;
	s10 =	sld [smem:$0x3FBA];
	_ =	sdelay $0x3  }
0x34: {  	[smem:$0x3FBA] =	sst s10  }
0x35: {  	s10 =	sld [smem:$0x3FB9];
	_ =	sdelay $0x3  }
0x36: {  	p1 =	seq.s32 s10, $0x1;
	s10 =	sld [smem:$0x3FBA];
	_ =	sdelay $0x3  }
0x37: {  	[smem:$0x3FBA] =	sst s10  }
0x38: {  	s10 =	sld [smem:$0x3FBB]  }
0x39: {  	_ = 	snop;
	(pc) =	sbr.ind lr, $3  }
0x3a: {  	_ = 	snop  }
0x3b: {  	_ = 	snop  }
0x3c: {  	p2 =	seq.s32 s10, $0x1;
	s10 =	sld [smem:$0x3FBA]  }
0x3d: {  	_ =	shalt  }
0x3e: {  	_ =	shalt  }
0x3f: {  	_ =	shalt  }
0x40: {  	_ =	shalt  }
0x41: {  	_ =	shalt  }
0x42: {  	_ =	shalt  }
0x43: {  	_ =	shalt  }
0x44: {  	_ =	shalt  }
0x45: {  	_ =	shalt  }
0x46: {  	_ =	shalt  }
0x47: {  	_ =	shalt  }
0x48: {  	_ =	shalt  }
0x49: {  	_ =	shalt  }
0x4a: {  	_ =	shalt  }
0x4b: {  	_ =	shalt  }
0x4c: {  	_ =	shalt  }
0x4d: {  	_ =	shalt  }
0x4e: {  	_ =	shalt  }
0x4f: {  	_ =	shalt  }
0x50: {  	_ =	shalt  }
0x51: {  	_ =	shalt  }
0x52: {  	_ =	shalt  }
0x53: {  	_ =	shalt  }
0x54: {  	_ =	shalt  }
0x55: {  	_ =	shalt  }
0x56: {  	_ =	shalt  }
0x57: {  	_ =	shalt  }
0x58: {  	_ =	shalt  }
0x59: {  	_ =	shalt  }
0x5a: {  	_ =	shalt  }
0x5b: {  	_ =	shalt  }
0x5c: {  	_ =	shalt  }
0x5d: {  	_ =	shalt  }
0x5e: {  	_ =	shalt  }
0x5f: {  	_ =	shalt  }
0x60: {  	_ =	shalt  }
0x61: {  	_ =	shalt  }
0x62: {  	_ =	shalt  }
0x63: {  	_ =	shalt  }
0x64: {  	_ =	shalt  }
0x65: {  	_ =	shalt  }
0x66: {  	_ =	shalt  }
0x67: {  	_ =	shalt  }
0x68: {  	_ =	shalt  }
0x69: {  	_ =	shalt  }
0x6a: {  	_ =	shalt  }
0x6b: {  	_ =	shalt  }
0x6c: {  	_ =	shalt  }
0x6d: {  	_ =	shalt  }
0x6e: {  	_ =	shalt  }
0x6f: {  	_ =	shalt  }
0x70: {  	_ =	shalt  }
0x71: {  	_ =	shalt  }
0x72: {  	_ =	shalt  }
0x73: {  	_ =	shalt  }
0x74: {  	_ =	shalt  }
0x75: {  	_ =	shalt  }
0x76: {  	_ =	shalt  }
0x77: {  	_ =	shalt  }
0x78: {  	_ =	shalt  }
0x79: {  	_ =	shalt  }
0x7a: {  	_ =	shalt  }
0x7b: {  	_ =	shalt  }
0x7c: {  	_ =	shalt  }
0x7d: {  	_ =	shalt  }
0x7e: {  	_ =	shalt  }
0x7f: {  	_ =	shalt  }
0x80: {  	_ =	shalt  }
0x81: {  	_ =	shalt  }
0x82: {  	_ =	shalt  }
0x83: {  	_ =	shalt  }
0x84: {  	_ =	shalt  }
0x85: {  	_ =	shalt  }
0x86: {  	_ =	shalt  }
0x87: {  	_ =	shalt  }
.Lfunc_end0:
.L_simem_size_0:
called_computation_lowered:
.L_overlay_start_0:
0x88: {  	s2 =	sld [smem:$0x3FD9]  }
0x89: {  	s3 =	sld [smem:$0x3FFE];
	_ =	sdelay $0x1  }
0x8a: {  	s1 =	srdreg.scid  }
0x8b: {  	s0 =	sand.u32 $0x1, s1  }
0x8c: {  	s18 =	sshll.u32 s0, $0xA;
	s2 =	sadd.s32 s3, s2  }
0x8d: {  	s2 =	sadd.s32 s2, s18  }
0x8e: {  	[smem:$0x3FC6] =	sst s2  }
0x8f: {  	_ = 	snop  }
0x90: {  	s2 =	sld [smem:$0x3FC9]  }
0x91: {  	s19 =	sld [smem:$0x3FC8]  }
0x92: {  	s4 =	sld [smem:$0x3FD0];
	(tm) =	ssettm $0x1  }
0x93: {  	s5 =	sld [smem:$0x3FFB];
	_ =	sdelay $0x3  }
0x94: {  	_ =	strace s5  }
0x95: {  	s5 =	sld [smem:$0x3FFC];
	_ =	sdelay $0x3  }
0x96: {  	_ =	strace s5  }
0x97: {  	s5 =	sld [smem:$0x3FFD];
	_ =	sdelay $0x3  }
0x98: {  	_ =	strace s5  }
0x99: {  	_ =	strace $0x8FFFFFFF  }
0x9a: {  	s20 =	sld [smem:$0x3FDB];
	_ =	sdelay $0x1  }
0x9b: {  	s6 =	simm.s32 $_scs_section_size  }
0x9c: {  	s7 =	simm.s32 $_size__tile_overlayer_lowered;
	s8 =	simm.s32 $_tile_overlayer_lowered  }
0x9d: {  	s23 =	simm.s32 $0x1BFF;
	s22 =	sshll.u32 s8, $0x1;
	s5 =	sadd.s32 s6, s20  }
0x9e: {  	s9 =	simm.s32 $0x0;
	s21 =	sshll.u32 s7, $0x1;
	s7 =	sadd.s32 s22, s5  }
0x9f: {  	[timem:s9], [sflag:s23] =	dma.local [hbm:s7], s21  }
0xa0: {  	_ =	swait.ge [sflag:s23], s21  }
0xa1: {  	s6 =	ssub.s32 $0x0, s21;
	[sflag:s23] =	ssyncset.done $0x0  }
0xa2: {  	[sflag:s23] =	ssyncadd.s32 s6;
	_ =	sdelay $0x1  }
0xa3: {  	s24 =	simm.s32 $0x1B8B  }
0xa4: {  	_ =	swait.ge [sflag:s24], $0x1  }
0xa5: {  	[sflag:s24] =	ssyncset.done $0x0  }
0xa6: {  	s25 =	simm.s32 $0x1B8E;
	[sflag:s24] =	ssyncadd.s32 $0xFFFFFFFF  }
0xa7: {  	s26 =	simm.s32 $execute0_lowered;
	[smem:$0x3FD2] =	sst s25  }
0xa8: {  	s6 =	sshll.u32 s26, $0x1;
	_ =	strace $0x80000046;
	[dreg:$0x1] =	wrdreg $0xFFFFFFFF  }
0xa9: {  	s28 =	simm.s32 $_size_execute0_lowered;
	s5 =	sadd.s32 s5, s6;
	[dreg:$0x0] =	wrdreg $0x0  }
0xaa: {  	s6 =	sshll.u32 s28, $0x1;
	[dreg:$0x2] =	wrdreg s5  }
0xab: {  	[dreg:$0x3] =	wrdreg s6  }
0xac: {  	[dreg:$0x4] =	wrdreg $0xC0  }
0xad: {  	_ =	task [dreg:s9], $0x5FFFF  }
0xae: {  	[dreg:$0x1] =	wrdreg $0xFFFFFFFF  }
0xaf: {  	[dreg:$0x0] =	wrdreg $0x60  }
0xb0: {  	[dreg:$0x2] =	wrdreg s2  }
0xb1: {  	[dreg:$0x3] =	wrdreg s19  }
0xb2: {  	[dreg:$0x4] =	wrdreg s4  }
0xb3: {  	[dreg:$0x5] =	wrdreg $0x9  }
0xb4: {  	_ =	task.clear_ibuf [dreg:s9], $0x6FFFF;
	_ =	strace $0x90000046  }
0xb5: {  	s29 =	simm.s32 $0x9;
	_ =	strace $0x80000048  }
0xb6: {  	_ =	swait.ge [sflag:s29], $0x1  }
0xb7: {  	[sflag:s29] =	ssyncadd.s32 $0xFFFFFFFF  }
0xb8: {  	_ =	strace $0x90000048  }
0xb9: {  	_ =	sfence  }
0xba: {  	s30 =	sld [smem:$0x0];
	_ =	sdelay $0x2  }
0xbb: {  	s31 =	sshll.u32 s1, $0xD;
	s1 =	sshrl.u32 s1, $0x2  }
0xbc: {  	s3 =	sand.u32 $0x4000, s31;
	s1 =	sadd.s32 s1, s30  }
0xbd: {  	s0 =	sor.u32 s3, s0;
	s1 =	sshll.u32 s1, $0x11  }
0xbe: {  	s0 =	sor.u32 s1, s0  }
0xbf: {  	s0 =	sadd.s32 $0x8F2B, s0  }
0xc0: {  	[sflag:s0] =	ssyncadd.remote.s32 $0x1  }
0xc1: {  	_ =	sfence.sel $0xFFFF  }
0xc2: {  	[dreg:$0x0] =	wrdreg $0xFFFFFFFF;
	(pc) =	sbr.abs _section_cstart, $3  }
0xc3: {  	[dreg:$0x1] =	wrdreg $0xFFFFFFFF  }
0xc4: {  	_ =	task.clear_ibuf [dreg:s9], $0x2FFFF;
	_ =	strace $0x9FFFFFFF  }
0xc5: {  	(tm) =	ssettm $0x7FFFFFFF  }
tec
execute0_lowered:
.L_overlay_start_1:
0x0: {  	(tag) =	ssettag $0x1  }
0x1: {  	s1 =	rddreg [dreg:$0x0]  }
0x2: {  	s0 =	srdreg.scid;
	s2 =	rddreg [dreg:$0x1]  }
0x3: {  	s11 =	stileid.u32;
	s6 =	rddreg [dreg:$0x2]  }
0x4: {  	s12 =	simm.s32 $0xA400;
	s14 =	simm.s32 $0xE400;
	s16 =	simm.s32 $0x12400  }
0x5: {  	s17 =	simm.s32 $0x16400;
	s18 =	simm.s32 $0x1;
	s19 =	simm.s32 $0x1A400  }
0x6: {  	s20 =	simm.s32 $0x2;
	s21 =	simm.s32 $0x7;
	s29 =	simm.s32 $0xA  }
0x7: {  	s30 =	simm.s32 $0xB;
	s31 =	simm.s32 $0xC;
	s7 =	smul.u32 $0x190, s11  }
0x8: {  	s0 =	sand.u32 $0x1, s0;
	s3 =	sshll.u32 s11, $0x1;
	s23 =	smul.u32 $0xC8000, s11  }
0x9: {  	s11 =	simm.s32 $0x6400;
	s4 =	sor.u32 s0, s3;
	s9 =	smul.u32 $0xC8, s0  }
0xa: {  	s3 =	simm.s32 $0x0;
	s8 =	ssub.s32 $0x2, s0;
	s0 =	smul.u32 $0x64000, s0  }
0xb: {  	s5 =	smul.u32 $0xC80, s4;
	[smem:$0x7FF] =	sst s3;
	s10 =	sshrl.u32 s8, $0x1  }
0xc: {  	s4 =	smul.u32 $0x320000, s4;
	_ =	strace $0x80000047;
	s8 =	ssub.s32 s8, s10  }
0xd: {  	s22 =	sadd.s32 s9, s7;
	s10 =	simm.s32 $0x80;
	s1 =	sadd.s32 s1, s5  }
0xe: {  	s4 =	sshrl.u32 s4, $0x3;
	s26 =	smax.u32 s8, $0x1;
	[dreg:$0x7] =	wrdreg s1  }
0xf: {  	s1 =	sshll.u32 s22, $0xB;
	s4 =	sadd.s32 s6, s4;
	[dreg:$0xa] =	wrdreg s26  }
0x10: {  	s22 =	simm.s32 $0x3;
	s26 =	simm.s32 $0x6;
	s24 =	sadd.s32 $0x63000, s4  }
0x11: {  	s5 =	sadd.s32 s1, s6;
	s4 =	sadd.s32 $0x63800, s4;
	[dreg:$0x8] =	wrdreg s24  }
0x12: {  	s6 =	sadd.s32 s23, s6;
	s25 =	sadd.s32 $0x1000, s5;
	[dreg:$0x9] =	wrdreg s4  }
0x13: {  	s23 =	simm.s32 $0x8;
	s0 =	sadd.s32 s0, s6;
	[dreg:$0x4] =	wrdreg s25  }
0x14: {  	s1 =	simm.s32 $0x0;
	s28 =	sadd.s32 $0x2000, s5;
	[dreg:$0x5] =	wrdreg s0  }
0x15: {  	s24 =	simm.s32 $0x4;
	[dreg:$0x6] =	wrdreg s28;
	s25 =	simm.s32 $0x5  }
.LBB2_1:
0x16: {  	s0 =	rddreg [dreg:$0x7];
	s9 =	simm.s32 $0xD  }
0x17: {  	[tilespmem:s3], [sflag:$0xD] =	stream.linear.gather [hbm4b:s0+s3], $0x6400, $0x38;
	[tilespmem:$0x1E400] =	vst v63  }
0x18: {  	_ =	swait.ge [sflag:s9], $0x6400  }
0x19: {  	[sflag:s9] =	ssyncset.done $0x0  }
0x1a: {  	[sflag:s9] =	ssyncadd.s32 $0xFFFF9C00  }
0x1b: {  	[tilespmem:s11], [sflag:$0x1] =	stream.indirect.gather [hbm4b:s2+s10], $0x80, s3, s10, $0xb8;
	[tilespmem:$0x1E400] =	vst v63  }
0x1c: {  	_ = 	snop  }
0x1d: {  	[tilespmem:s12], [sflag:$0x2] =	stream.indirect.gather [hbm4b:s2+s10], $0x80, s10, s10, $0xb8;
	[tilespmem:$0x1E400] =	vst v63  }
0x1e: {  	s13 =	simm.s32 $0x100;
	p0 =	por $0x1, $0x1  }
0x1f: {  	[tilespmem:s14], [sflag:$0x3] =	stream.indirect.gather [hbm4b:s2+s10], $0x80, s13, s10, $0xb8;
	[tilespmem:$0x1E400] =	vst v63  }
0x20: {  	s15 =	simm.s32 $0x180;
	s0 =	simm.s32 @!p0 $0xB  }
0x21: {  	[tilespmem:s16], [sflag:$0x4] =	stream.indirect.gather [hbm4b:s2+s10], $0x80, s15, s10, $0xb8;
	[tilespmem:$0x1E400] =	vst v63  }
0x22: {  	_ =	swait.ge @!p0 [sflag:s0], $0x4000  }
0x23: {  	[sflag:s0] =	ssyncset.done @!p0 $0x0  }
0x24: {  	s4 =	simm.s32 $0x200;
	[sflag:s0] =	ssyncadd.s32 @!p0 $0xFFFFC000  }
0x25: {  	[tilespmem:s17], [sflag:$0x5] =	stream.indirect.gather [hbm4b:s2+s10], $0x80, s4, s10, $0xb8;
	[tilespmem:$0x1E400] =	vst v63  }
0x26: {  	_ =	swait.ge [sflag:s18], $0x4000  }
0x27: {  	s28 =	rddreg [dreg:$0x5];
	[sflag:s18] =	ssyncset.done $0x0  }
0x28: {  	s4 =	simm.s32 @!p0 $0xC;
	[sflag:s18] =	ssyncadd.s32 $0xFFFFC000;
	s0 =	sadd.s32 $0x0, s28  }
0x29: {  	[hbm4b:s0+s3] =	stream.linear.scatter [tilespmem:s11], [sflag:$0x7], $0x4000, $0x38;
	[tilespmem:$0x1E400] =	vst v63  }
0x2a: {  	_ =	swait.ge @!p0 [sflag:s4], $0x4000  }
0x2b: {  	[sflag:s4] =	ssyncset.done @!p0 $0x0  }
0x2c: {  	s6 =	simm.s32 $0x280;
	[sflag:s4] =	ssyncadd.s32 @!p0 $0xFFFFC000  }
0x2d: {  	[tilespmem:s19], [sflag:$0x6] =	stream.indirect.gather [hbm4b:s2+s10], $0x80, s6, s10, $0xb8;
	[tilespmem:$0x1E400] =	vst v63  }
0x2e: {  	_ =	swait.ge [sflag:s20], $0x4000  }
0x2f: {  	s0 =	sadd.s32 $0x0, s5;
	[sflag:s20] =	ssyncset.done $0x0  }
0x30: {  	s7 =	sadd.s32 $0x800, s0;
	[sflag:s20] =	ssyncadd.s32 $0xFFFFC000  }
0x31: {  	[hbm4b:s7+s3] =	stream.linear.scatter [tilespmem:s12], [sflag:$0x8], $0x4000, $0x38;
	[tilespmem:$0x1E400] =	vst v63  }
0x32: {  	_ =	swait.ge [sflag:s21], $0x4000  }
0x33: {  	[sflag:s21] =	ssyncset.done $0x0  }
0x34: {  	s8 =	simm.s32 $0x300;
	[sflag:s21] =	ssyncadd.s32 $0xFFFFC000  }
0x35: {  	[tilespmem:s11], [sflag:$0x1] =	stream.indirect.gather [hbm4b:s2+s10], $0x80, s8, s10, $0xb8;
	[tilespmem:$0x1E400] =	vst v63  }
0x36: {  	_ =	swait.ge [sflag:s22], $0x4000  }
0x37: {  	s9 =	rddreg [dreg:$0x4];
	[sflag:s22] =	ssyncset.done $0x0  }
0x38: {  	[sflag:s22] =	ssyncadd.s32 $0xFFFFC000;
	s4 =	sadd.s32 $0x0, s9  }
0x39: {  	[hbm4b:s4+s3] =	stream.linear.scatter [tilespmem:s14], [sflag:$0x9], $0x4000, $0x38;
	[tilespmem:$0x1E400] =	vst v63  }
0x3a: {  	_ =	swait.ge [sflag:s23], $0x4000  }
0x3b: {  	[sflag:s23] =	ssyncset.done $0x0  }
0x3c: {  	s13 =	simm.s32 $0x380;
	[sflag:s23] =	ssyncadd.s32 $0xFFFFC000  }
0x3d: {  	[tilespmem:s12], [sflag:$0x2] =	stream.indirect.gather [hbm4b:s2+s10], $0x80, s13, s10, $0xb8;
	[tilespmem:$0x1E400] =	vst v63  }
0x3e: {  	_ =	swait.ge [sflag:s24], $0x4000  }
0x3f: {  	p0 =	por $0x0, $0x0;
	[sflag:s24] =	ssyncset.done $0x0  }
0x40: {  	s15 =	sadd.s32 $0x1800, s0;
	s6 =	simm.s32 @!p0 $0x9;
	[sflag:s24] =	ssyncadd.s32 $0xFFFFC000  }
0x41: {  	[hbm4b:s15+s3] =	stream.linear.scatter [tilespmem:s16], [sflag:$0xA], $0x4000, $0x38;
	[tilespmem:$0x1E400] =	vst v63  }
0x42: {  	_ =	swait.ge @!p0 [sflag:s6], $0x4000  }
0x43: {  	s4 =	simm.s32 @!p0 $0xE400;
	[sflag:s6] =	ssyncset.done @!p0 $0x0  }
0x44: {  	s13 =	simm.s32 @!p0 $0x400;
	[sflag:s6] =	ssyncadd.s32 @!p0 $0xFFFFC000;
	s6 =	simm.s32 @!p0 $0x80  }
0x45: {  	[tilespmem:s4], [sflag:$0x3] =	stream.indirect.gather @!p0 [hbm4b:s2+s6], $0x80, s13, s6, $0xb8;
	[tilespmem:$0x1E400] =	vst v63  }
0x46: {  	_ =	swait.ge [sflag:s25], $0x4000  }
0x47: {  	s28 =	rddreg [dreg:$0x6];
	[sflag:s25] =	ssyncset.done $0x0  }
0x48: {  	s13 =	simm.s32 @!p0 $0xA;
	[sflag:s25] =	ssyncadd.s32 $0xFFFFC000;
	s4 =	sadd.s32 $0x0, s28  }
0x49: {  	[hbm4b:s4+s3] =	stream.linear.scatter [tilespmem:s17], [sflag:$0xB], $0x4000, $0x38;
	[tilespmem:$0x1E400] =	vst v63  }
0x4a: {  	_ =	swait.ge @!p0 [sflag:s13], $0x4000  }
0x4b: {  	[sflag:s13] =	ssyncset.done @!p0 $0x0  }
0x4c: {  	s4 =	simm.s32 @!p0 $0x480;
	[sflag:s13] =	ssyncadd.s32 @!p0 $0xFFFFC000;
	s13 =	simm.s32 @!p0 $0x12400  }
0x4d: {  	[tilespmem:s13], [sflag:$0x4] =	stream.indirect.gather @!p0 [hbm4b:s2+s6], $0x80, s4, s6, $0xb8;
	[tilespmem:$0x1E400] =	vst v63  }
0x4e: {  	p1 =	por $0x0, $0x0;
	s15 =	simm.s32 $0x6000;
	s13 =	simm.s32 $0x3000  }
0x4f: {  	s6 =	sadd.s32 $0x2800, s0;
	s0 =	simm.s32 $0x580;
	_ =	swait.ge [sflag:s26], $0x4000  }
.LBB2_2:
0x50: {  	[sflag:s26] =	ssyncset.done $0x0  }
0x51: {  	s7 =	simm.s32 @!p1 $0xB;
	[sflag:s26] =	ssyncadd.s32 $0xFFFFC000  }
0x52: {  	[hbm4b:s6+s3] =	stream.linear.scatter [tilespmem:s19], [sflag:$0xC], $0x4000, $0x38;
	[tilespmem:$0x1E400] =	vst v63  }
0x53: {  	_ =	swait.ge @!p1 [sflag:s7], $0x4000  }
0x54: {  	[sflag:s7] =	ssyncset.done @!p1 $0x0  }
0x55: {  	s8 =	sadd.s32 $0xFFFFFF80, s0;
	[sflag:s7] =	ssyncadd.s32 @!p1 $0xFFFFC000  }
0x56: {  	[tilespmem:s17], [sflag:$0x5] =	stream.indirect.gather [hbm4b:s2+s10], $0x80, s8, s10, $0xb8;
	[tilespmem:$0x1E400] =	vst v63  }
0x57: {  	_ =	swait.ge [sflag:s18], $0x4000  }
0x58: {  	s9 =	rddreg [dreg:$0x5];
	[sflag:s18] =	ssyncset.done $0x0  }
0x59: {  	s7 =	simm.s32 @!p1 $0xC;
	[sflag:s18] =	ssyncadd.s32 $0xFFFFC000;
	s6 =	sadd.s32 s13, s9  }
0x5a: {  	[hbm4b:s6+s3] =	stream.linear.scatter [tilespmem:s11], [sflag:$0x7], $0x4000, $0x38;
	[tilespmem:$0x1E400] =	vst v63  }
0x5b: {  	_ =	swait.ge @!p1 [sflag:s7], $0x4000  }
0x5c: {  	[sflag:s7] =	ssyncset.done @!p1 $0x0  }
0x5d: {  	[sflag:s7] =	ssyncadd.s32 @!p1 $0xFFFFC000  }
0x5e: {  	[tilespmem:s19], [sflag:$0x6] =	stream.indirect.gather [hbm4b:s2+s10], $0x80, s0, s10, $0xb8;
	[tilespmem:$0x1E400] =	vst v63  }
0x5f: {  	_ =	swait.ge [sflag:s20], $0x4000  }
0x60: {  	s7 =	sadd.s32 s13, s5;
	[sflag:s20] =	ssyncset.done $0x0  }
0x61: {  	s8 =	sadd.s32 $0x800, s7;
	[sflag:s20] =	ssyncadd.s32 $0xFFFFC000  }
0x62: {  	[hbm4b:s8+s3] =	stream.linear.scatter [tilespmem:s12], [sflag:$0x8], $0x4000, $0x38;
	[tilespmem:$0x1E400] =	vst v63  }
0x63: {  	_ =	swait.ge [sflag:s21], $0x4000  }
0x64: {  	[sflag:s21] =	ssyncset.done $0x0  }
0x65: {  	s28 =	sadd.s32 $0x80, s0;
	[sflag:s21] =	ssyncadd.s32 $0xFFFFC000  }
0x66: {  	[tilespmem:s11], [sflag:$0x1] =	stream.indirect.gather [hbm4b:s2+s10], $0x80, s28, s10, $0xb8;
	[tilespmem:$0x1E400] =	vst v63  }
0x67: {  	_ =	swait.ge [sflag:s22], $0x4000  }
0x68: {  	s9 =	rddreg [dreg:$0x4];
	[sflag:s22] =	ssyncset.done $0x0  }
0x69: {  	[sflag:s22] =	ssyncadd.s32 $0xFFFFC000;
	s8 =	sadd.s32 s13, s9  }
0x6a: {  	[hbm4b:s8+s3] =	stream.linear.scatter [tilespmem:s14], [sflag:$0x9], $0x4000, $0x38;
	[tilespmem:$0x1E400] =	vst v63  }
0x6b: {  	_ =	swait.ge [sflag:s23], $0x4000  }
0x6c: {  	[sflag:s23] =	ssyncset.done $0x0  }
0x6d: {  	s28 =	sadd.s32 $0x100, s0;
	[sflag:s23] =	ssyncadd.s32 $0xFFFFC000  }
0x6e: {  	[tilespmem:s12], [sflag:$0x2] =	stream.indirect.gather [hbm4b:s2+s10], $0x80, s28, s10, $0xb8;
	[tilespmem:$0x1E400] =	vst v63  }
0x6f: {  	_ =	swait.ge [sflag:s24], $0x4000  }
0x70: {  	p1 =	seq.s32 s13, $0x60000;
	s6 =	sadd.s32 $0x2800, s7;
	[sflag:s24] =	ssyncset.done $0x0  }
0x71: {  	s7 =	sadd.s32 $0x1800, s7;
	s8 =	simm.s32 @!p1 $0x9;
	[sflag:s24] =	ssyncadd.s32 $0xFFFFC000  }
0x72: {  	[hbm4b:s7+s3] =	stream.linear.scatter [tilespmem:s16], [sflag:$0xA], $0x4000, $0x38;
	[tilespmem:$0x1E400] =	vst v63  }
0x73: {  	_ =	swait.ge @!p1 [sflag:s8], $0x4000  }
0x74: {  	s9 =	sadd.s32 @!p1 $0x180, s0;
	[sflag:s8] =	ssyncset.done @!p1 $0x0  }
0x75: {  	s28 =	simm.s32 @!p1 $0x80;
	s7 =	simm.s32 @!p1 $0xE400;
	[sflag:s8] =	ssyncadd.s32 @!p1 $0xFFFFC000  }
0x76: {  	[tilespmem:s7], [sflag:$0x3] =	stream.indirect.gather @!p1 [hbm4b:s2+s28], $0x80, s9, s28, $0xb8;
	[tilespmem:$0x1E400] =	vst v63  }
0x77: {  	s4 =	smov.u32 s15;
	s15 =	sadd.s32 $0x3000, s15;
	_ =	swait.ge [sflag:s25], $0x4000  }
0x78: {  	p0 =	sne.s32 s15, $0x63000;
	s9 =	rddreg [dreg:$0x6];
	[sflag:s25] =	ssyncset.done $0x0  }
0x79: {  	s8 =	simm.s32 @!p1 $0xA;
	[sflag:s25] =	ssyncadd.s32 $0xFFFFC000;
	s7 =	sadd.s32 s13, s9  }
0x7a: {  	[hbm4b:s7+s3] =	stream.linear.scatter [tilespmem:s17], [sflag:$0xB], $0x4000, $0x38;
	[tilespmem:$0x1E400] =	vst v63  }
.Ltmp0:
0x7b: {  	_ =	swait.ge @!p1 [sflag:s8], $0x4000;
	(pc) =	sbr.rel @p0 .LBB2_2-.Ltmp0, $4  }
0x7c: {  	s13 =	smov.u32 s4;
	[sflag:s8] =	ssyncset.done @!p1 $0x0  }
0x7d: {  	s4 =	sadd.s32 @!p1 $0x200, s0;
	s7 =	simm.s32 @!p1 $0x12400;
	[sflag:s8] =	ssyncadd.s32 @!p1 $0xFFFFC000  }
0x7e: {  	[tilespmem:s7], [sflag:$0x4] =	stream.indirect.gather @!p1 [hbm4b:s2+s28], $0x80, s4, s28, $0xb8;
	[tilespmem:$0x1E400] =	vst v63  }
0x7f: {  	s0 =	sadd.s32 $0x300, s0;
	p1 =	seq.s32 s13, $0x0;
	_ =	swait.ge [sflag:s26], $0x4000  }
0x80: {  	[sflag:s26] =	ssyncset.done $0x0  }
0x81: {  	s4 =	simm.s32 @!p1 $0xB;
	[sflag:s26] =	ssyncadd.s32 $0xFFFFC000  }
0x82: {  	[hbm4b:s6+s3] =	stream.linear.scatter [tilespmem:s19], [sflag:$0xC], $0x4000, $0x38;
	[tilespmem:$0x1E400] =	vst v63  }
0x83: {  	_ =	swait.ge @!p1 [sflag:s4], $0x4000  }
0x84: {  	[sflag:s4] =	ssyncset.done @!p1 $0x0  }
0x85: {  	s9 =	sadd.s32 $0xFFFFFF80, s0;
	[sflag:s4] =	ssyncadd.s32 @!p1 $0xFFFFC000  }
0x86: {  	[tilespmem:s17], [sflag:$0x5] =	stream.indirect.gather [hbm4b:s2+s10], $0x80, s9, s10, $0xb8;
	[tilespmem:$0x1E400] =	vst v63  }
0x87: {  	_ =	swait.ge [sflag:s18], $0x4000  }
0x88: {  	s15 =	rddreg [dreg:$0x5];
	[sflag:s18] =	ssyncset.done $0x0  }
0x89: {  	s6 =	simm.s32 @!p1 $0xC;
	[sflag:s18] =	ssyncadd.s32 $0xFFFFC000;
	s4 =	sadd.s32 s13, s15  }
0x8a: {  	[hbm4b:s4+s3] =	stream.linear.scatter [tilespmem:s11], [sflag:$0x7], $0x4000, $0x38;
	[tilespmem:$0x1E400] =	vst v63  }
0x8b: {  	_ =	swait.ge @!p1 [sflag:s6], $0x4000  }
0x8c: {  	[sflag:s6] =	ssyncset.done @!p1 $0x0  }
0x8d: {  	[sflag:s6] =	ssyncadd.s32 @!p1 $0xFFFFC000  }
0x8e: {  	[tilespmem:s19], [sflag:$0x6] =	stream.indirect.gather [hbm4b:s2+s10], $0x80, s0, s10, $0xb8;
	[tilespmem:$0x1E400] =	vst v63  }
0x8f: {  	_ =	swait.ge [sflag:s20], $0x4000  }
0x90: {  	s4 =	sadd.s32 s13, s5;
	[sflag:s20] =	ssyncset.done $0x0  }
0x91: {  	s28 =	sadd.s32 $0x800, s4;
	[sflag:s20] =	ssyncadd.s32 $0xFFFFC000  }
0x92: {  	[hbm4b:s28+s3] =	stream.linear.scatter [tilespmem:s12], [sflag:$0x8], $0x4000, $0x38;
	[tilespmem:$0x1E400] =	vst v63  }
0x93: {  	_ =	swait.ge [sflag:s21], $0x4000  }
0x94: {  	[sflag:s21] =	ssyncset.done $0x0  }
0x95: {  	s7 =	sadd.s32 $0x80, s0;
	[sflag:s21] =	ssyncadd.s32 $0xFFFFC000  }
0x96: {  	[tilespmem:s11], [sflag:$0x1] =	stream.indirect.gather [hbm4b:s2+s10], $0x80, s7, s10, $0xb8;
	[tilespmem:$0x1E400] =	vst v63  }
0x97: {  	_ =	swait.ge [sflag:s22], $0x4000  }
0x98: {  	s8 =	rddreg [dreg:$0x4];
	[sflag:s22] =	ssyncset.done $0x0  }
0x99: {  	[sflag:s22] =	ssyncadd.s32 $0xFFFFC000;
	s6 =	sadd.s32 s13, s8  }
0x9a: {  	[hbm4b:s6+s3] =	stream.linear.scatter [tilespmem:s14], [sflag:$0x9], $0x4000, $0x38;
	[tilespmem:$0x1E400] =	vst v63  }
0x9b: {  	_ =	swait.ge [sflag:s23], $0x4000  }
0x9c: {  	[sflag:s23] =	ssyncset.done $0x0  }
0x9d: {  	s9 =	sadd.s32 $0x100, s0;
	[sflag:s23] =	ssyncadd.s32 $0xFFFFC000  }
0x9e: {  	[tilespmem:s12], [sflag:$0x2] =	stream.indirect.gather [hbm4b:s2+s10], $0x80, s9, s10, $0xb8;
	[tilespmem:$0x1E400] =	vst v63  }
0x9f: {  	_ =	swait.ge [sflag:s24], $0x4000  }
0xa0: {  	p0 =	seq.s32 s13, $0x60000;
	[sflag:s24] =	ssyncset.done $0x0  }
0xa1: {  	s15 =	sadd.s32 $0x1800, s4;
	s7 =	simm.s32 @!p0 $0x9;
	[sflag:s24] =	ssyncadd.s32 $0xFFFFC000  }
0xa2: {  	[hbm4b:s15+s3] =	stream.linear.scatter [tilespmem:s16], [sflag:$0xA], $0x4000, $0x38;
	[tilespmem:$0x1E400] =	vst v63  }
0xa3: {  	_ =	swait.ge @!p0 [sflag:s7], $0x4000  }
0xa4: {  	s8 =	sadd.s32 @!p0 $0x180, s0;
	[sflag:s7] =	ssyncset.done @!p0 $0x0  }
0xa5: {  	s6 =	simm.s32 @!p0 $0xE400;
	[sflag:s7] =	ssyncadd.s32 @!p0 $0xFFFFC000;
	s7 =	simm.s32 @!p0 $0x80  }
0xa6: {  	[tilespmem:s6], [sflag:$0x3] =	stream.indirect.gather @!p0 [hbm4b:s2+s7], $0x80, s8, s7, $0xb8;
	[tilespmem:$0x1E400] =	vst v63  }
0xa7: {  	_ =	swait.ge [sflag:s25], $0x4000  }
0xa8: {  	s28 =	rddreg [dreg:$0x6];
	[sflag:s25] =	ssyncset.done $0x0  }
0xa9: {  	s6 =	sadd.s32 s13, s28;
	[sflag:s25] =	ssyncadd.s32 $0xFFFFC000  }
0xaa: {  	[hbm4b:s6+s3] =	stream.linear.scatter [tilespmem:s17], [sflag:$0xB], $0x4000, $0x38;
	[tilespmem:$0x1E400] =	vst v63  }
0xab: {  	s6 =	simm.s32 @!p0 $0xA  }
0xac: {  	_ =	swait.ge @!p0 [sflag:s6], $0x4000  }
0xad: {  	[sflag:s6] =	ssyncset.done @!p0 $0x0  }
0xae: {  	s0 =	sadd.s32 @!p0 $0x200, s0;
	[sflag:s6] =	ssyncadd.s32 @!p0 $0xFFFFC000;
	s6 =	simm.s32 @!p0 $0x12400  }
0xaf: {  	[tilespmem:s6], [sflag:$0x4] =	stream.indirect.gather @!p0 [hbm4b:s2+s7], $0x80, s0, s7, $0xb8;
	[tilespmem:$0x1E400] =	vst v63  }
0xb0: {  	_ =	swait.ge [sflag:s26], $0x4000  }
0xb1: {  	[sflag:s26] =	ssyncset.done $0x0  }
0xb2: {  	s8 =	sadd.s32 $0x2800, s4;
	[sflag:s26] =	ssyncadd.s32 $0xFFFFC000  }
0xb3: {  	[hbm4b:s8+s3] =	stream.linear.scatter [tilespmem:s19], [sflag:$0xC], $0x4000, $0x38;
	[tilespmem:$0x1E400] =	vst v63  }
0xb4: {  	_ =	swait.ge [sflag:s18], $0x4000  }
0xb5: {  	[sflag:s18] =	ssyncset.done $0x0  }
0xb6: {  	s9 =	rddreg [dreg:$0x8];
	[sflag:s18] =	ssyncadd.s32 $0xFFFFC000  }
0xb7: {  	[hbm4b:s9+s3] =	stream.linear.scatter [tilespmem:s11], [sflag:$0x7], $0x4000, $0x38;
	[tilespmem:$0x1E400] =	vst v63  }
0xb8: {  	_ =	swait.ge [sflag:s20], $0x4000  }
0xb9: {  	[sflag:s20] =	ssyncset.done $0x0  }
0xba: {  	s15 =	simm.s32 $0x9;
	s13 =	rddreg [dreg:$0x9];
	[sflag:s20] =	ssyncadd.s32 $0xFFFFC000  }
0xbb: {  	[hbm4b:s13+s3] =	stream.linear.scatter [tilespmem:s12], [sflag:$0x8], $0x4000, $0x38;
	[tilespmem:$0x1E400] =	vst v63  }
0xbc: {  	_ =	swait.ge [sflag:s15], $0x4000  }
0xbd: {  	[sflag:s15] =	ssyncset.done $0x0  }
0xbe: {  	[sflag:s15] =	ssyncadd.s32 $0xFFFFC000  }
0xbf: {  	_ =	swait.ge [sflag:s29], $0x4000  }
0xc0: {  	[sflag:s29] =	ssyncset.done $0x0  }
0xc1: {  	[sflag:s29] =	ssyncadd.s32 $0xFFFFC000  }
0xc2: {  	_ =	swait.ge [sflag:s30], $0x4000  }
0xc3: {  	[sflag:s30] =	ssyncset.done $0x0  }
0xc4: {  	[sflag:s30] =	ssyncadd.s32 $0xFFFFC000  }
0xc5: {  	_ =	swait.ge [sflag:s31], $0x4000  }
0xc6: {  	[sflag:s31] =	ssyncset.done $0x0  }
0xc7: {  	[sflag:s31] =	ssyncadd.s32 $0xFFFFC000  }
0xc8: {  	_ =	swait.ge [sflag:s21], $0x4000  }
0xc9: {  	[sflag:s21] =	ssyncset.done $0x0  }
0xca: {  	[sflag:s21] =	ssyncadd.s32 $0xFFFFC000  }
0xcb: {  	_ =	swait.ge [sflag:s23], $0x4000  }
0xcc: {  	s1 =	sadd.s32 $0x1, s1;
	s28 =	rddreg [dreg:$0xa]  }
0xcd: {  	p0 =	sne.s32 s1, s28  }
.Ltmp1:
0xce: {  	_ = 	snop;
	(pc) =	sbr.rel @p0 .LBB2_1-.Ltmp1, $3  }
0xcf: {  	_ =	sdelay $0x1  }
0xd0: {  	[sflag:s23] =	ssyncset.done $0x0  }
0xd1: {  	[sflag:s23] =	ssyncadd.s32 $0xFFFFC000  }
0xd2: {  	_ =	sfence.sel $0x180000  }
0xd3: {  	[bflag:$0x0] =	sbarrier.arrive $0xFFFF  }
0xd4: {  	_ =	strace $0x90000047  }
0xd5: {  	s0 =	stileid.u32;
	[bflag:$0x2] =	sbarrier.arrive $0xFFFF  }
0xd6: {  	p0 =	sne.s32 s0, $0x0;
	s0 =	rddreg [dreg:$0x3]  }
0xd7: {  	s0 =	sadd.s32 @!p0 $0x100000, s0  }
0xd8: {  	[sflag:s0] =	ssyncadd.tile.s32 @!p0 $0x1;
	_ =	shalt  }
.Lfunc_end2:
_tile_overlayer_lowered:
.L_overlay_start_2:
0xd9: {  	(tag) =	ssettag $0x2  }
0xda: {  	s0 =	rddreg [dreg:$0x0];
	s2 =	stileid.u32  }
0xdb: {  	s1 =	rddreg [dreg:$0x1];
	p0 =	sne.s32 s2, $0x0  }
0xdc: {  	s3 =	rddreg [dreg:$0x2];
	[bflag:$0x3] =	sbarrier.arrive $0xFFFF;
	s2 =	simm.s32 @!p0 $0x1C0D  }
0xdd: {  	[timem:s3], [sflag:s2] =	dma.local @!p0 [hbm:s0], s1  }
0xde: {  	s0 =	simm.s32 @!p0 $0xD  }
0xdf: {  	_ =	swait.ge @!p0 [sflag:s0], s1  }
0xe0: {  	s1 =	ssub.s32 @!p0 $0x0, s1;
	[sflag:s0] =	ssyncset.done @!p0 $0x0  }
0xe1: {  	[sflag:s0] =	ssyncadd.s32 @!p0 s1  }
0xe2: {  	[bflag:$0x3] =	sbarrier.arrive $0xFFFF  }
0xe3: {  	_ =	shalt  }

</sc_bundles>
